<compile_context>
chip_gen: v7x
topology: tpu7x:2x2x1
jax: 0.10.2.dev20260603
libtpu: 0.0.44.dev20260713+nightly
codegen_flags: <defaults>
</compile_context>

<pallas_src>
import numpy as np
import jax
import jax.numpy as jnp
from jax import lax
from jax.experimental import pallas as pl
from jax.experimental.pallas import tpu as pltpu
from jax.experimental.pallas import tpu_sc as plsc

N = 10000
E = 320000
DIM = 128
NSB = 50
NF = 128
CUTOFF = 5.0
LOG2 = float(np.log(2.0))

EH = E // 2
NUM_CORES = 2
NUM_SUBCORES = 16
NUM_WORKERS = NUM_CORES * NUM_SUBCORES
ROWS_PER_WORKER = EH // NUM_WORKERS
CH = 40
NCHUNK = ROWS_PER_WORKER // CH
ZB = 200
NZB = N // ZB
ZB_PER_SUB = -(-NZB // NUM_SUBCORES)
WB = 624


def _ssp(v):
    return jnp.maximum(v, 0.0) + jnp.log(0.5 + 0.5 * jnp.exp(-jnp.abs(v)))



EBLK = 3200
RSUB = EBLK // 128


def _filter_block(f, r, w1, b1, w2, b2):
    t = jnp.dot(f, w1, preferred_element_type=jnp.float32)
    t = _ssp(t + b1)
    t = jnp.dot(t, w2, preferred_element_type=jnp.float32) + b2
    c = 0.5 * (jnp.cos(r * (np.pi / CUTOFF)) + 1.0)
    c = jnp.where(r < CUTOFF, c, 0.0)
    c3 = lax.broadcast_in_dim(c, (RSUB, 128, NF), (0, 1))
    return (t.reshape(RSUB, 128, NF) * c3).reshape(EBLK, NF)


def _bf16_bits(x):
    xi = jax.lax.bitcast_convert_type(x, jnp.int32)
    lsb = lax.bitwise_and(lax.shift_right_logical(xi, 16), jnp.int32(1))
    return xi + lsb + jnp.int32(0x7FFF)


def _filter_body(fa_ref, fb_ref, ra_ref, rb_ref, w1_ref, b1_ref, w2_ref,
                 b2_ref, o_ref):
    ta = _filter_block(fa_ref[...], ra_ref[0], w1_ref[...], b1_ref[...],
                       w2_ref[...], b2_ref[...])
    tb = _filter_block(fb_ref[...], rb_ref[0], w1_ref[...], b1_ref[...],
                       w2_ref[...], b2_ref[...])
    lo = lax.shift_right_logical(_bf16_bits(ta), 16)
    hi = lax.bitwise_and(_bf16_bits(tb), jnp.int32(-65536))
    o_ref[...] = lax.bitwise_or(lo, hi)


def _filter_net(f_ij, r_ij, w1, b1, w2, b2):
    return pl.pallas_call(
        _filter_body,
        grid=(EH // EBLK,),
        in_specs=[
            pl.BlockSpec((EBLK, NSB), lambda i: (i, 0)),
            pl.BlockSpec((EBLK, NSB), lambda i: (i + EH // EBLK, 0)),
            pl.BlockSpec((1, RSUB, 128), lambda i: (i, 0, 0)),
            pl.BlockSpec((1, RSUB, 128), lambda i: (i + EH // EBLK, 0, 0)),
            pl.BlockSpec((NSB, NF), lambda i: (0, 0)),
            pl.BlockSpec((1, NF), lambda i: (0, 0)),
            pl.BlockSpec((NF, NF), lambda i: (0, 0)),
            pl.BlockSpec((1, NF), lambda i: (0, 0)),
        ],
        out_specs=pl.BlockSpec((EBLK, NF), lambda i: (i, 0)),
        out_shape=jax.ShapeDtypeStruct((EH, NF), jnp.int32),
    )(f_ij, f_ij, r_ij.reshape(E // EBLK, RSUB, 128),
      r_ij.reshape(E // EBLK, RSUB, 128),
      w1, b1.reshape(1, NF), w2, b2.reshape(1, NF))




def _h_body(x_ref, w_ref, o_ref):
    o_ref[...] = jnp.dot(x_ref[...], w_ref[...], preferred_element_type=jnp.float32)


def _in2f(x, w):
    return pl.pallas_call(
        _h_body,
        out_shape=jax.ShapeDtypeStruct((N, NF), jnp.float32),
    )(x, w)




def _sc_body(h_hbm, w_hbm, indi_hbm, indj_hbm, zeros_hbm, out_hbm,
             acc, idxj_sp, hba0, hba1, hbb0, hbb1, wbuf0, wbuf1,
             ia0, ia1, ib0, ib1,
             ga0, ga1, gb0, gb1, ws0, ws1, sa0, sa1, sb0, sb1, is0, is1, zsem):
    c = lax.axis_index("c")
    s = lax.axis_index("s")
    bufs = ((hba0, hbb0, wbuf0, ia0, ib0, ga0, gb0, ws0, sa0, sb0, is0),
            (hba1, hbb1, wbuf1, ia1, ib1, ga1, gb1, ws1, sa1, sb1, is1))

    wid = c * NUM_SUBCORES + s
    rbase = wid * ROWS_PER_WORKER

    ja = pl.multiple_of(rbase, 8)
    jb = pl.multiple_of(EH + rbase, 8)
    pltpu.async_copy(indj_hbm.at[pl.ds(ja, ROWS_PER_WORKER)],
                     idxj_sp.at[pl.ds(0, ROWS_PER_WORKER)], zsem)
    pltpu.async_copy(indj_hbm.at[pl.ds(jb, ROWS_PER_WORKER)],
                     idxj_sp.at[pl.ds(ROWS_PER_WORKER, ROWS_PER_WORKER)], zsem)
    for t in range(ZB_PER_SUB):
        b = s + NUM_SUBCORES * t

        @pl.when(b < NZB)
        def _():
            r0 = pl.multiple_of(b * ZB, 8)
            pltpu.async_copy(zeros_hbm, acc.at[pl.ds(r0, ZB)], zsem)

    pltpu.make_async_copy(indj_hbm.at[pl.ds(ja, ROWS_PER_WORKER)],
                          idxj_sp.at[pl.ds(0, ROWS_PER_WORKER)], zsem).wait()
    pltpu.make_async_copy(indj_hbm.at[pl.ds(jb, ROWS_PER_WORKER)],
                          idxj_sp.at[pl.ds(ROWS_PER_WORKER, ROWS_PER_WORKER)],
                          zsem).wait()
    for t in range(ZB_PER_SUB):
        b = s + NUM_SUBCORES * t

        @pl.when(b < NZB)
        def _():
            r0 = pl.multiple_of(b * ZB, 8)
            pltpu.make_async_copy(zeros_hbm, acc.at[pl.ds(r0, ZB)], zsem).wait()

    plsc.subcore_barrier()

    def issue_loads(k, p):
        hba, hbb, wb, ia, ib, ga, gb, ws, _, _, isem = bufs[p]
        pltpu.async_copy(h_hbm.at[idxj_sp.at[pl.ds(k * CH, CH)]], hba, ga)
        pltpu.async_copy(
            h_hbm.at[idxj_sp.at[pl.ds(ROWS_PER_WORKER + k * CH, CH)]], hbb, gb)
        row = pl.multiple_of(rbase + k * CH, 8)
        pltpu.async_copy(w_hbm.at[pl.ds(row, CH)], wb, ws)
        r8 = pl.multiple_of(rbase + k * CH, 8)
        pltpu.async_copy(indi_hbm.at[pl.ds(r8, CH)], ia, isem)
        pltpu.async_copy(indi_hbm.at[pl.ds(EH + r8, CH)], ib, isem)

    def wait_loads(k, p):
        hba, hbb, wb, ia, ib, ga, gb, ws, _, _, isem = bufs[p]
        pltpu.make_async_copy(h_hbm.at[idxj_sp.at[pl.ds(k * CH, CH)]], hba, ga).wait()
        pltpu.make_async_copy(
            h_hbm.at[idxj_sp.at[pl.ds(ROWS_PER_WORKER + k * CH, CH)]], hbb, gb).wait()
        row = pl.multiple_of(rbase + k * CH, 8)
        pltpu.make_async_copy(w_hbm.at[pl.ds(row, CH)], wb, ws).wait()
        r8 = pl.multiple_of(rbase + k * CH, 8)
        pltpu.make_async_copy(indi_hbm.at[pl.ds(r8, CH)], ia, isem).wait()
        pltpu.make_async_copy(indi_hbm.at[pl.ds(EH + r8, CH)], ib, isem).wait()

    def wait_scatters(p):
        hba, hbb, _, ia, ib, _, _, _, sa, sb, _ = bufs[p]
        pltpu.make_async_copy(hba, acc.at[ia], sa).wait()
        pltpu.make_async_copy(hbb, acc.at[ib], sb).wait()

    def step(k, p):
        hba, hbb, wb, ia, ib, ga, gb, ws, sa, sb, isem = bufs[p]
        wait_loads(k, p)

        @pl.when(k + 1 < NCHUNK)
        def _():
            @pl.when(k >= 1)
            def _():
                wait_scatters(1 - p)

            issue_loads(k + 1, 1 - p)

        def mrow(r, carry2):
            for l16 in range(NF // 16):
                sl = pl.ds(l16 * 16, 16)
                wi = wb[r, sl]
                lo = jax.lax.bitcast_convert_type(wi * jnp.int32(65536), jnp.float32)
                hi = jax.lax.bitcast_convert_type(
                    lax.bitwise_and(wi, jnp.int32(-65536)), jnp.float32)
                hba[r, sl] = hba[r, sl] * lo
                hbb[r, sl] = hbb[r, sl] * hi
            return carry2

        lax.fori_loop(0, CH, mrow, 0)
        pltpu.async_copy(hba, acc.at[ia], sa, add=True)
        pltpu.async_copy(hbb, acc.at[ib], sb, add=True)

    issue_loads(0, 0)

    def pair(g, carry):
        step(2 * g, 0)
        step(2 * g + 1, 1)
        return carry

    lax.fori_loop(0, NCHUNK // 2, pair, 0)
    if NCHUNK % 2:
        step(NCHUNK - 1, (NCHUNK - 1) % 2)
    wait_scatters((NCHUNK - 1) % 2)
    wait_scatters(NCHUNK % 2)
    plsc.subcore_barrier()

    r0 = pl.multiple_of(WB * s, 8)
    pltpu.async_copy(acc.at[pl.ds(r0, WB)], out_hbm.at[c, pl.ds(r0, WB)], zsem)

    @pl.when(s == NUM_SUBCORES - 1)
    def _():
        t0 = WB * NUM_SUBCORES
        pltpu.async_copy(acc.at[pl.ds(t0, N - t0)], out_hbm.at[c, pl.ds(t0, N - t0)], zsem)

    pltpu.make_async_copy(acc.at[pl.ds(r0, WB)], out_hbm.at[c, pl.ds(r0, WB)], zsem).wait()

    @pl.when(s == NUM_SUBCORES - 1)
    def _():
        t0 = WB * NUM_SUBCORES
        pltpu.make_async_copy(acc.at[pl.ds(t0, N - t0)], out_hbm.at[c, pl.ds(t0, N - t0)], zsem).wait()


def _sc_aggregate(h, w_all, ind_i, ind_j):
    mesh = plsc.VectorSubcoreMesh(core_axis_name="c", subcore_axis_name="s")
    dma = pltpu.SemaphoreType.DMA
    agg = pl.kernel(
        _sc_body,
        out_type=jax.ShapeDtypeStruct((NUM_CORES, N, NF), jnp.float32),
        mesh=mesh,
        scratch_types=[
            pltpu.VMEM_SHARED((N, NF), jnp.float32),
            pltpu.VMEM((2 * ROWS_PER_WORKER,), jnp.int32),
            pltpu.VMEM((CH, NF), jnp.float32),
            pltpu.VMEM((CH, NF), jnp.float32),
            pltpu.VMEM((CH, NF), jnp.float32),
            pltpu.VMEM((CH, NF), jnp.float32),
            pltpu.VMEM((CH, NF), jnp.int32),
            pltpu.VMEM((CH, NF), jnp.int32),
            pltpu.VMEM((CH,), jnp.int32),
            pltpu.VMEM((CH,), jnp.int32),
            pltpu.VMEM((CH,), jnp.int32),
            pltpu.VMEM((CH,), jnp.int32),
        ] + [dma] * 13,
    )
    zeros = jnp.zeros((ZB, NF), jnp.float32)

    return agg(h, w_all, ind_i, ind_j, zeros)




def _out_body(p_ref, fw_ref, fb_ref, lw_ref, lb_ref, o_ref):
    a = p_ref[0] + p_ref[1]
    t = _ssp(jnp.dot(a, fw_ref[...], preferred_element_type=jnp.float32) + fb_ref[...])
    o_ref[...] = jnp.dot(t, lw_ref[...], preferred_element_type=jnp.float32) + lb_ref[...]


def _out_head(partials, fw, fb, lw, lb):
    return pl.pallas_call(
        _out_body,
        out_shape=jax.ShapeDtypeStruct((N, DIM), jnp.float32),
    )(partials, fw, fb.reshape(1, DIM), lw, lb.reshape(1, DIM))




def kernel(x, r_ij, f_ij, ind_i, ind_j, filt_W1, filt_b1, filt_W2, filt_b2,
           in2f_W, f2out_W, f2out_b, lin_W, lin_b):
    w_all = _filter_net(f_ij, r_ij, filt_W1, filt_b1, filt_W2, filt_b2)
    h = _in2f(x, in2f_W)
    partials = _sc_aggregate(h, w_all, ind_i, ind_j)
    return _out_head(partials, f2out_W, f2out_b, lin_W, lin_b)

# --- scband reference (transcript-rebuilt; emitter-appended) ---
"""Pipeline reference for scband-sch-net-interaction-7928509628806 (READ-ONLY COPY).

The authoritative reference and input builder live on the scoring server;
editing this copy changes nothing except your own understanding.
"""

import jax, jax.numpy as jnp
import numpy as np

N = 10000
E = 320000
DIM = 128
NSB = 50
NF = 128
CUTOFF = 5.0
LOG2 = float(np.log(2.0))


def _ssp(v):
    return jax.nn.softplus(v) - LOG2


def setup_inputs(seed: int = 0) -> dict:
    key = jax.random.key(seed)
    ks = jax.random.split(key, 16)
    inp = {}
    inp["x"] = jax.random.normal(ks[0], (N, DIM), dtype=jnp.float32)
    inp["r_ij"] = jax.random.uniform(ks[1], (E, 1), dtype=jnp.float32)
    inp["f_ij"] = jax.random.normal(ks[2], (E, NSB), dtype=jnp.float32)
    inp["ind_i"] = jax.random.randint(ks[3], (E,), 0, N, dtype=jnp.int32)
    inp["ind_j"] = jax.random.randint(ks[4], (E,), 0, N, dtype=jnp.int32)
    # learned parameters
    inp["filt_W1"] = jax.random.normal(ks[5], (NSB, NF), dtype=jnp.float32) * 0.05
    inp["filt_b1"] = jnp.zeros((NF,), dtype=jnp.float32)
    inp["filt_W2"] = jax.random.normal(ks[6], (NF, NF), dtype=jnp.float32) * 0.05
    inp["filt_b2"] = jnp.zeros((NF,), dtype=jnp.float32)
    inp["in2f_W"] = jax.random.normal(ks[7], (DIM, NF), dtype=jnp.float32) * 0.05
    inp["f2out_W"] = jax.random.normal(ks[8], (NF, DIM), dtype=jnp.float32) * 0.05
    inp["f2out_b"] = jnp.zeros((DIM,), dtype=jnp.float32)
    inp["lin_W"] = jax.random.normal(ks[9], (DIM, DIM), dtype=jnp.float32) * 0.05
    inp["lin_b"] = jnp.zeros((DIM,), dtype=jnp.float32)
    return inp


def reference(x, r_ij, f_ij, ind_i, ind_j, filt_W1, filt_b1, filt_W2, filt_b2,
              in2f_W, f2out_W, f2out_b, lin_W, lin_b):
    # filter network: Linear(NSB, NF) -> ShiftedSoftplus -> Linear(NF, NF)
    W = _ssp(f_ij @ filt_W1 + filt_b1) @ filt_W2 + filt_b2  # [E, NF]
    # cosine cutoff
    C = 0.5 * (jnp.cos(r_ij * np.pi / CUTOFF) + 1.0)
    C = C * (r_ij < CUTOFF).astype(jnp.float32)  # [E, 1]
    W = W * C
    # in2f (no bias)
    h = x @ in2f_W  # [N, NF]
    # gather source nodes, modulate by filters
    h = jnp.take(h, ind_j, axis=0) * W  # [E, NF]
    # global_add_pool: scatter-add by destination index
    h = jax.ops.segment_sum(h, ind_i, num_segments=N)  # [N, NF]
    # f2out: Linear + ShiftedSoftplus
    h = _ssp(h @ f2out_W + f2out_b)  # [N, DIM]
    # final linear
    v = h @ lin_W + lin_b  # [N, DIM]
    return v

if __name__ == "__main__":
    import jax
    _d = setup_inputs()
    print(jax.jit(kernel)(*tuple(_d.values())))

</pallas_src>

<mosaic_0001>
#map = affine_map<(d0, d1) -> (0, 0)>
#map1 = affine_map<(d0, d1) -> (0)>
#map2 = affine_map<(d0, d1) -> (0, 0, 0)>
module attributes {stable_mosaic.version = 14 : i64} {
  func.func @_sc_body(%arg0: i32, %arg1: i32, %arg2: memref<10000x128xf32, #tpu.memory_space<hbm>>, %arg3: memref<160000x128xi32, #tpu.memory_space<hbm>>, %arg4: memref<320000xi32, #tpu.memory_space<hbm>>, %arg5: memref<320000xi32, #tpu.memory_space<hbm>>, %arg6: memref<200x128xf32, #tpu.memory_space<hbm>>, %arg7: memref<2x10000x128xf32, #tpu.memory_space<hbm>>, %arg8: memref<10000x128xf32, #tpu.memory_space<vmem_shared>>, %arg9: memref<10000xi32, #tpu.memory_space<vmem>>, %arg10: memref<40x128xf32, #tpu.memory_space<vmem>>, %arg11: memref<40x128xf32, #tpu.memory_space<vmem>>, %arg12: memref<40x128xf32, #tpu.memory_space<vmem>>, %arg13: memref<40x128xf32, #tpu.memory_space<vmem>>, %arg14: memref<40x128xi32, #tpu.memory_space<vmem>>, %arg15: memref<40x128xi32, #tpu.memory_space<vmem>>, %arg16: memref<40xi32, #tpu.memory_space<vmem>>, %arg17: memref<40xi32, #tpu.memory_space<vmem>>, %arg18: memref<40xi32, #tpu.memory_space<vmem>>, %arg19: memref<40xi32, #tpu.memory_space<vmem>>, %arg20: memref<!tpu.dma_semaphore, #tpu.memory_space<semaphore_mem>>, %arg21: memref<!tpu.dma_semaphore, #tpu.memory_space<semaphore_mem>>, %arg22: memref<!tpu.dma_semaphore, #tpu.memory_space<semaphore_mem>>, %arg23: memref<!tpu.dma_semaphore, #tpu.memory_space<semaphore_mem>>, %arg24: memref<!tpu.dma_semaphore, #tpu.memory_space<semaphore_mem>>, %arg25: memref<!tpu.dma_semaphore, #tpu.memory_space<semaphore_mem>>, %arg26: memref<!tpu.dma_semaphore, #tpu.memory_space<semaphore_mem>>, %arg27: memref<!tpu.dma_semaphore, #tpu.memory_space<semaphore_mem>>, %arg28: memref<!tpu.dma_semaphore, #tpu.memory_space<semaphore_mem>>, %arg29: memref<!tpu.dma_semaphore, #tpu.memory_space<semaphore_mem>>, %arg30: memref<!tpu.dma_semaphore, #tpu.memory_space<semaphore_mem>>, %arg31: memref<!tpu.dma_semaphore, #tpu.memory_space<semaphore_mem>>, %arg32: memref<!tpu.dma_semaphore, #tpu.memory_space<semaphore_mem>>) attributes {dimension_semantics = [#tpu.dimension_semantics<core_parallel>, #tpu.dimension_semantics<subcore_parallel>], iteration_bounds = array<i64: 2, 16>, scalar_prefetch = 0 : i64, scratch_operands = 25 : i64, tpu.core_type = #tpu.core_type<sc_vector_subcore>, window_params = [{transform_indices = #map}, {transform_indices = #map}, {transform_indices = #map1}, {transform_indices = #map1}, {transform_indices = #map}, {transform_indices = #map2}]} {
    %mul3A = arith.constant 16 : i32
    %mul3A_0 = arith.muli %arg0, %mul3A : i32
    %add3A = arith.addi %mul3A_0, %arg1 : i32
    %mul3A_1 = arith.constant 5000 : i32
    %mul3A_2 = arith.muli %add3A, %mul3A_1 : i32
    %multiple_of3A = tpu.assume_multiple %mul3A_2, 8 : i32
    %add3A_3 = arith.constant 160000 : i32
    %add3A_4 = arith.addi %add3A_3, %mul3A_2 : i32
    %multiple_of3A_5 = tpu.assume_multiple %add3A_4, 8 : i32
    %dma_start3A = arith.constant 0 : i32
    %dma_start3A_6 = tpu.memref_slice %arg9[%dma_start3A] : memref<10000xi32, #tpu.memory_space<vmem>> -> memref<5000xi32, #tpu.memory_space<vmem>>
    %dma_start3A_7 = tpu.memref_slice %arg5[%multiple_of3A] : memref<320000xi32, #tpu.memory_space<hbm>> -> memref<5000xi32, #tpu.memory_space<hbm>>
    %dma_start3A_8 = arith.constant 0 : i32
    %dma_start3A_9 = tpu.memref_slice %arg9[%dma_start3A_8] : memref<10000xi32, #tpu.memory_space<vmem>> -> memref<5000xi32, #tpu.memory_space<vmem>>
    %dma_start3A_10 = tpu.memref_slice %arg5[%multiple_of3A] : memref<320000xi32, #tpu.memory_space<hbm>> -> memref<5000xi32, #tpu.memory_space<hbm>>
    tpu.enqueue_dma source(%dma_start3A_10 : memref<5000xi32, #tpu.memory_space<hbm>>) target(%dma_start3A_9 : memref<5000xi32, #tpu.memory_space<vmem>>) target_semaphore(%arg32 : memref<!tpu.dma_semaphore, #tpu.memory_space<semaphore_mem>>)
    %dma_start3A_11 = arith.constant 5000 : i32
    %dma_start3A_12 = tpu.memref_slice %arg9[%dma_start3A_11] : memref<10000xi32, #tpu.memory_space<vmem>> -> memref<5000xi32, #tpu.memory_space<vmem>>
    %dma_start3A_13 = tpu.memref_slice %arg5[%multiple_of3A_5] : memref<320000xi32, #tpu.memory_space<hbm>> -> memref<5000xi32, #tpu.memory_space<hbm>>
    %dma_start3A_14 = arith.constant 5000 : i32
    %dma_start3A_15 = tpu.memref_slice %arg9[%dma_start3A_14] : memref<10000xi32, #tpu.memory_space<vmem>> -> memref<5000xi32, #tpu.memory_space<vmem>>
    %dma_start3A_16 = tpu.memref_slice %arg5[%multiple_of3A_5] : memref<320000xi32, #tpu.memory_space<hbm>> -> memref<5000xi32, #tpu.memory_space<hbm>>
    tpu.enqueue_dma source(%dma_start3A_16 : memref<5000xi32, #tpu.memory_space<hbm>>) target(%dma_start3A_15 : memref<5000xi32, #tpu.memory_space<vmem>>) target_semaphore(%arg32 : memref<!tpu.dma_semaphore, #tpu.memory_space<semaphore_mem>>)
    %add3A_17 = arith.constant 0 : i32
    %add3A_18 = arith.addi %arg1, %add3A_17 : i32
    %lt3A = arith.constant 50 : i32
    %lt3A_19 = arith.cmpi slt, %add3A_18, %lt3A : i32
    %convert_element_type3A = arith.extui %lt3A_19 : i1 to i32
    %cond3A = arith.constant 0 : i32
    %cond3A_20 = arith.cmpi ne, %convert_element_type3A, %cond3A : i32
    scf.if %cond3A_20 {
      %mul3A_185 = arith.constant 200 : i32
      %mul3A_186 = arith.muli %add3A_18, %mul3A_185 : i32
      %multiple_of3A_187 = tpu.assume_multiple %mul3A_186, 8 : i32
      %dma_start3A_188 = arith.constant 0 : i32
      %dma_start3A_189 = tpu.memref_slice %arg8[%multiple_of3A_187, %dma_start3A_188] : memref<10000x128xf32, #tpu.memory_space<vmem_shared>> -> memref<200x128xf32, #tpu.memory_space<vmem_shared>>
      tpu.enqueue_dma source(%arg6 : memref<200x128xf32, #tpu.memory_space<hbm>>) target(%dma_start3A_189 : memref<200x128xf32, #tpu.memory_space<vmem_shared>>) target_semaphore(%arg32 : memref<!tpu.dma_semaphore, #tpu.memory_space<semaphore_mem>>)
    } else {
    }
    %add3A_21 = arith.constant 16 : i32
    %add3A_22 = arith.addi %arg1, %add3A_21 : i32
    %lt3A_23 = arith.constant 50 : i32
    %lt3A_24 = arith.cmpi slt, %add3A_22, %lt3A_23 : i32
    %convert_element_type3A_25 = arith.extui %lt3A_24 : i1 to i32
    %cond3A_26 = arith.constant 0 : i32
    %cond3A_27 = arith.cmpi ne, %convert_element_type3A_25, %cond3A_26 : i32
    scf.if %cond3A_27 {
      %mul3A_185 = arith.constant 200 : i32
      %mul3A_186 = arith.muli %add3A_22, %mul3A_185 : i32
      %multiple_of3A_187 = tpu.assume_multiple %mul3A_186, 8 : i32
      %dma_start3A_188 = arith.constant 0 : i32
      %dma_start3A_189 = tpu.memref_slice %arg8[%multiple_of3A_187, %dma_start3A_188] : memref<10000x128xf32, #tpu.memory_space<vmem_shared>> -> memref<200x128xf32, #tpu.memory_space<vmem_shared>>
      tpu.enqueue_dma source(%arg6 : memref<200x128xf32, #tpu.memory_space<hbm>>) target(%dma_start3A_189 : memref<200x128xf32, #tpu.memory_space<vmem_shared>>) target_semaphore(%arg32 : memref<!tpu.dma_semaphore, #tpu.memory_space<semaphore_mem>>)
    } else {
    }
    %add3A_28 = arith.constant 32 : i32
    %add3A_29 = arith.addi %arg1, %add3A_28 : i32
    %lt3A_30 = arith.constant 50 : i32
    %lt3A_31 = arith.cmpi slt, %add3A_29, %lt3A_30 : i32
    %convert_element_type3A_32 = arith.extui %lt3A_31 : i1 to i32
    %cond3A_33 = arith.constant 0 : i32
    %cond3A_34 = arith.cmpi ne, %convert_element_type3A_32, %cond3A_33 : i32
    scf.if %cond3A_34 {
      %mul3A_185 = arith.constant 200 : i32
      %mul3A_186 = arith.muli %add3A_29, %mul3A_185 : i32
      %multiple_of3A_187 = tpu.assume_multiple %mul3A_186, 8 : i32
      %dma_start3A_188 = arith.constant 0 : i32
      %dma_start3A_189 = tpu.memref_slice %arg8[%multiple_of3A_187, %dma_start3A_188] : memref<10000x128xf32, #tpu.memory_space<vmem_shared>> -> memref<200x128xf32, #tpu.memory_space<vmem_shared>>
      tpu.enqueue_dma source(%arg6 : memref<200x128xf32, #tpu.memory_space<hbm>>) target(%dma_start3A_189 : memref<200x128xf32, #tpu.memory_space<vmem_shared>>) target_semaphore(%arg32 : memref<!tpu.dma_semaphore, #tpu.memory_space<semaphore_mem>>)
    } else {
    }
    %add3A_35 = arith.constant 48 : i32
    %add3A_36 = arith.addi %arg1, %add3A_35 : i32
    %lt3A_37 = arith.constant 50 : i32
    %lt3A_38 = arith.cmpi slt, %add3A_36, %lt3A_37 : i32
    %convert_element_type3A_39 = arith.extui %lt3A_38 : i1 to i32
    %cond3A_40 = arith.constant 0 : i32
    %cond3A_41 = arith.cmpi ne, %convert_element_type3A_39, %cond3A_40 : i32
    scf.if %cond3A_41 {
      %mul3A_185 = arith.constant 200 : i32
      %mul3A_186 = arith.muli %add3A_36, %mul3A_185 : i32
      %multiple_of3A_187 = tpu.assume_multiple %mul3A_186, 8 : i32
      %dma_start3A_188 = arith.constant 0 : i32
      %dma_start3A_189 = tpu.memref_slice %arg8[%multiple_of3A_187, %dma_start3A_188] : memref<10000x128xf32, #tpu.memory_space<vmem_shared>> -> memref<200x128xf32, #tpu.memory_space<vmem_shared>>
      tpu.enqueue_dma source(%arg6 : memref<200x128xf32, #tpu.memory_space<hbm>>) target(%dma_start3A_189 : memref<200x128xf32, #tpu.memory_space<vmem_shared>>) target_semaphore(%arg32 : memref<!tpu.dma_semaphore, #tpu.memory_space<semaphore_mem>>)
    } else {
    }
    %dma_wait3A = arith.constant 0 : i32
    %dma_wait3A_42 = tpu.memref_slice %arg9[%dma_wait3A] : memref<10000xi32, #tpu.memory_space<vmem>> -> memref<5000xi32, #tpu.memory_space<vmem>>
    %dma_wait3A_43 = tpu.memref_slice %arg5[%multiple_of3A] : memref<320000xi32, #tpu.memory_space<hbm>> -> memref<5000xi32, #tpu.memory_space<hbm>>
    %dma_wait3A_44 = arith.constant 0 : i32
    %dma_wait3A_45 = tpu.memref_slice %arg9[%dma_wait3A_44] : memref<10000xi32, #tpu.memory_space<vmem>> -> memref<5000xi32, #tpu.memory_space<vmem>>
    %dma_wait3A_46 = tpu.memref_slice %arg5[%multiple_of3A] : memref<320000xi32, #tpu.memory_space<hbm>> -> memref<5000xi32, #tpu.memory_space<hbm>>
    tpu.wait_dma2 semaphore(%arg32 : memref<!tpu.dma_semaphore, #tpu.memory_space<semaphore_mem>>) src(%dma_wait3A_46 : memref<5000xi32, #tpu.memory_space<hbm>>) dst(%dma_wait3A_45 : memref<5000xi32, #tpu.memory_space<vmem>>)
    %dma_wait3A_47 = arith.constant 5000 : i32
    %dma_wait3A_48 = tpu.memref_slice %arg9[%dma_wait3A_47] : memref<10000xi32, #tpu.memory_space<vmem>> -> memref<5000xi32, #tpu.memory_space<vmem>>
    %dma_wait3A_49 = tpu.memref_slice %arg5[%multiple_of3A_5] : memref<320000xi32, #tpu.memory_space<hbm>> -> memref<5000xi32, #tpu.memory_space<hbm>>
    %dma_wait3A_50 = arith.constant 5000 : i32
    %dma_wait3A_51 = tpu.memref_slice %arg9[%dma_wait3A_50] : memref<10000xi32, #tpu.memory_space<vmem>> -> memref<5000xi32, #tpu.memory_space<vmem>>
    %dma_wait3A_52 = tpu.memref_slice %arg5[%multiple_of3A_5] : memref<320000xi32, #tpu.memory_space<hbm>> -> memref<5000xi32, #tpu.memory_space<hbm>>
    tpu.wait_dma2 semaphore(%arg32 : memref<!tpu.dma_semaphore, #tpu.memory_space<semaphore_mem>>) src(%dma_wait3A_52 : memref<5000xi32, #tpu.memory_space<hbm>>) dst(%dma_wait3A_51 : memref<5000xi32, #tpu.memory_space<vmem>>)
    %add3A_53 = arith.constant 0 : i32
    %add3A_54 = arith.addi %arg1, %add3A_53 : i32
    %lt3A_55 = arith.constant 50 : i32
    %lt3A_56 = arith.cmpi slt, %add3A_54, %lt3A_55 : i32
    %convert_element_type3A_57 = arith.extui %lt3A_56 : i1 to i32
    %cond3A_58 = arith.constant 0 : i32
    %cond3A_59 = arith.cmpi ne, %convert_element_type3A_57, %cond3A_58 : i32
    scf.if %cond3A_59 {
      %mul3A_185 = arith.constant 200 : i32
      %mul3A_186 = arith.muli %add3A_54, %mul3A_185 : i32
      %multiple_of3A_187 = tpu.assume_multiple %mul3A_186, 8 : i32
      %dma_wait3A_188 = arith.constant 0 : i32
      %dma_wait3A_189 = tpu.memref_slice %arg8[%multiple_of3A_187, %dma_wait3A_188] : memref<10000x128xf32, #tpu.memory_space<vmem_shared>> -> memref<200x128xf32, #tpu.memory_space<vmem_shared>>
      tpu.wait_dma2 semaphore(%arg32 : memref<!tpu.dma_semaphore, #tpu.memory_space<semaphore_mem>>) src(%arg6 : memref<200x128xf32, #tpu.memory_space<hbm>>) dst(%dma_wait3A_189 : memref<200x128xf32, #tpu.memory_space<vmem_shared>>)
    } else {
    }
    %add3A_60 = arith.constant 16 : i32
    %add3A_61 = arith.addi %arg1, %add3A_60 : i32
    %lt3A_62 = arith.constant 50 : i32
    %lt3A_63 = arith.cmpi slt, %add3A_61, %lt3A_62 : i32
    %convert_element_type3A_64 = arith.extui %lt3A_63 : i1 to i32
    %cond3A_65 = arith.constant 0 : i32
    %cond3A_66 = arith.cmpi ne, %convert_element_type3A_64, %cond3A_65 : i32
    scf.if %cond3A_66 {
      %mul3A_185 = arith.constant 200 : i32
      %mul3A_186 = arith.muli %add3A_61, %mul3A_185 : i32
      %multiple_of3A_187 = tpu.assume_multiple %mul3A_186, 8 : i32
      %dma_wait3A_188 = arith.constant 0 : i32
      %dma_wait3A_189 = tpu.memref_slice %arg8[%multiple_of3A_187, %dma_wait3A_188] : memref<10000x128xf32, #tpu.memory_space<vmem_shared>> -> memref<200x128xf32, #tpu.memory_space<vmem_shared>>
      tpu.wait_dma2 semaphore(%arg32 : memref<!tpu.dma_semaphore, #tpu.memory_space<semaphore_mem>>) src(%arg6 : memref<200x128xf32, #tpu.memory_space<hbm>>) dst(%dma_wait3A_189 : memref<200x128xf32, #tpu.memory_space<vmem_shared>>)
    } else {
    }
    %add3A_67 = arith.constant 32 : i32
    %add3A_68 = arith.addi %arg1, %add3A_67 : i32
    %lt3A_69 = arith.constant 50 : i32
    %lt3A_70 = arith.cmpi slt, %add3A_68, %lt3A_69 : i32
    %convert_element_type3A_71 = arith.extui %lt3A_70 : i1 to i32
    %cond3A_72 = arith.constant 0 : i32
    %cond3A_73 = arith.cmpi ne, %convert_element_type3A_71, %cond3A_72 : i32
    scf.if %cond3A_73 {
      %mul3A_185 = arith.constant 200 : i32
      %mul3A_186 = arith.muli %add3A_68, %mul3A_185 : i32
      %multiple_of3A_187 = tpu.assume_multiple %mul3A_186, 8 : i32
      %dma_wait3A_188 = arith.constant 0 : i32
      %dma_wait3A_189 = tpu.memref_slice %arg8[%multiple_of3A_187, %dma_wait3A_188] : memref<10000x128xf32, #tpu.memory_space<vmem_shared>> -> memref<200x128xf32, #tpu.memory_space<vmem_shared>>
      tpu.wait_dma2 semaphore(%arg32 : memref<!tpu.dma_semaphore, #tpu.memory_space<semaphore_mem>>) src(%arg6 : memref<200x128xf32, #tpu.memory_space<hbm>>) dst(%dma_wait3A_189 : memref<200x128xf32, #tpu.memory_space<vmem_shared>>)
    } else {
    }
    %add3A_74 = arith.constant 48 : i32
    %add3A_75 = arith.addi %arg1, %add3A_74 : i32
    %lt3A_76 = arith.constant 50 : i32
    %lt3A_77 = arith.cmpi slt, %add3A_75, %lt3A_76 : i32
    %convert_element_type3A_78 = arith.extui %lt3A_77 : i1 to i32
    %cond3A_79 = arith.constant 0 : i32
    %cond3A_80 = arith.cmpi ne, %convert_element_type3A_78, %cond3A_79 : i32
    scf.if %cond3A_80 {
      %mul3A_185 = arith.constant 200 : i32
      %mul3A_186 = arith.muli %add3A_75, %mul3A_185 : i32
      %multiple_of3A_187 = tpu.assume_multiple %mul3A_186, 8 : i32
      %dma_wait3A_188 = arith.constant 0 : i32
      %dma_wait3A_189 = tpu.memref_slice %arg8[%multiple_of3A_187, %dma_wait3A_188] : memref<10000x128xf32, #tpu.memory_space<vmem_shared>> -> memref<200x128xf32, #tpu.memory_space<vmem_shared>>
      tpu.wait_dma2 semaphore(%arg32 : memref<!tpu.dma_semaphore, #tpu.memory_space<semaphore_mem>>) src(%arg6 : memref<200x128xf32, #tpu.memory_space<hbm>>) dst(%dma_wait3A_189 : memref<200x128xf32, #tpu.memory_space<vmem_shared>>)
    } else {
    }
    %barrier3A = arith.constant 0 : index
    tpu.barrier barrier_id(%barrier3A)
    %dma_start3A_81 = arith.constant 0 : i32
    %dma_start3A_82 = tpu.memref_slice %arg9[%dma_start3A_81] : memref<10000xi32, #tpu.memory_space<vmem>> -> memref<40xi32, #tpu.memory_space<vmem>>
    %dma_start3A_83 = arith.constant 0 : i32
    %dma_start3A_84 = arith.constant 0 : i32
    %dma_start3A_85 = tpu.memref_slice %arg2[%dma_start3A_83, %dma_start3A_84] : memref<10000x128xf32, #tpu.memory_space<hbm>> -> memref<10000x128xf32, #tpu.memory_space<hbm>>
    tpu.enqueue_indirect_dma source(%dma_start3A_85 : memref<10000x128xf32, #tpu.memory_space<hbm>>) target(%arg10 : memref<40x128xf32, #tpu.memory_space<vmem>>) offsets(%dma_start3A_82 : memref<40xi32, #tpu.memory_space<vmem>>) semaphore(%arg20 : memref<!tpu.dma_semaphore, #tpu.memory_space<semaphore_mem>>)
    %dma_start3A_86 = arith.constant 5000 : i32
    %dma_start3A_87 = tpu.memref_slice %arg9[%dma_start3A_86] : memref<10000xi32, #tpu.memory_space<vmem>> -> memref<40xi32, #tpu.memory_space<vmem>>
    %dma_start3A_88 = arith.constant 0 : i32
    %dma_start3A_89 = arith.constant 0 : i32
    %dma_start3A_90 = tpu.memref_slice %arg2[%dma_start3A_88, %dma_start3A_89] : memref<10000x128xf32, #tpu.memory_space<hbm>> -> memref<10000x128xf32, #tpu.memory_space<hbm>>
    tpu.enqueue_indirect_dma source(%dma_start3A_90 : memref<10000x128xf32, #tpu.memory_space<hbm>>) target(%arg12 : memref<40x128xf32, #tpu.memory_space<vmem>>) offsets(%dma_start3A_87 : memref<40xi32, #tpu.memory_space<vmem>>) semaphore(%arg22 : memref<!tpu.dma_semaphore, #tpu.memory_space<semaphore_mem>>)
    %add3A_91 = arith.constant 0 : i32
    %add3A_92 = arith.addi %mul3A_2, %add3A_91 : i32
    %multiple_of3A_93 = tpu.assume_multiple %add3A_92, 8 : i32
    %dma_start3A_94 = arith.constant 0 : i32
    %dma_start3A_95 = tpu.memref_slice %arg3[%multiple_of3A_93, %dma_start3A_94] : memref<160000x128xi32, #tpu.memory_space<hbm>> -> memref<40x128xi32, #tpu.memory_space<hbm>>
    %dma_start3A_96 = arith.constant 0 : i32
    %dma_start3A_97 = tpu.memref_slice %arg3[%multiple_of3A_93, %dma_start3A_96] : memref<160000x128xi32, #tpu.memory_space<hbm>> -> memref<40x128xi32, #tpu.memory_space<hbm>>
    tpu.enqueue_dma source(%dma_start3A_97 : memref<40x128xi32, #tpu.memory_space<hbm>>) target(%arg14 : memref<40x128xi32, #tpu.memory_space<vmem>>) target_semaphore(%arg24 : memref<!tpu.dma_semaphore, #tpu.memory_space<semaphore_mem>>)
    %add3A_98 = arith.constant 0 : i32
    %add3A_99 = arith.addi %mul3A_2, %add3A_98 : i32
    %multiple_of3A_100 = tpu.assume_multiple %add3A_99, 8 : i32
    %dma_start3A_101 = tpu.memref_slice %arg4[%multiple_of3A_100] : memref<320000xi32, #tpu.memory_space<hbm>> -> memref<40xi32, #tpu.memory_space<hbm>>
    %dma_start3A_102 = tpu.memref_slice %arg4[%multiple_of3A_100] : memref<320000xi32, #tpu.memory_space<hbm>> -> memref<40xi32, #tpu.memory_space<hbm>>
    tpu.enqueue_dma source(%dma_start3A_102 : memref<40xi32, #tpu.memory_space<hbm>>) target(%arg16 : memref<40xi32, #tpu.memory_space<vmem>>) target_semaphore(%arg30 : memref<!tpu.dma_semaphore, #tpu.memory_space<semaphore_mem>>)
    %add3A_103 = arith.constant 160000 : i32
    %add3A_104 = arith.addi %add3A_103, %multiple_of3A_100 : i32
    %dma_start3A_105 = tpu.memref_slice %arg4[%add3A_104] : memref<320000xi32, #tpu.memory_space<hbm>> -> memref<40xi32, #tpu.memory_space<hbm>>
    %dma_start3A_106 = tpu.memref_slice %arg4[%add3A_104] : memref<320000xi32, #tpu.memory_space<hbm>> -> memref<40xi32, #tpu.memory_space<hbm>>
    tpu.enqueue_dma source(%dma_start3A_106 : memref<40xi32, #tpu.memory_space<hbm>>) target(%arg18 : memref<40xi32, #tpu.memory_space<vmem>>) target_semaphore(%arg30 : memref<!tpu.dma_semaphore, #tpu.memory_space<semaphore_mem>>)
    %scan3A = arith.constant 0 : i32
    %scan3A_107 = arith.constant 0 : i32
    %scan3A_108 = arith.constant 62 : i32
    %scan3A_109 = arith.addi %scan3A_107, %scan3A_108 : i32
    %scan3A_110 = arith.constant 1 : i32
    scf.for %scan3A_185 = %scan3A_107 to %scan3A_109 step %scan3A_110  : i32 {
      %mul3A_186 = arith.constant 2 : i32
      %mul3A_187 = arith.muli %mul3A_186, %scan3A_185 : i32
      %mul3A_188 = arith.constant 40 : i32
      %mul3A_189 = arith.muli %mul3A_187, %mul3A_188 : i32
      %dma_wait3A_190 = tpu.memref_slice %arg9[%mul3A_189] : memref<10000xi32, #tpu.memory_space<vmem>> -> memref<40xi32, #tpu.memory_space<vmem>>
      %dma_wait3A_191 = arith.constant 0 : i32
      %dma_wait3A_192 = arith.constant 0 : i32
      %dma_wait3A_193 = tpu.memref_slice %arg2[%dma_wait3A_191, %dma_wait3A_192] : memref<10000x128xf32, #tpu.memory_space<hbm>> -> memref<10000x128xf32, #tpu.memory_space<hbm>>
      tpu.wait_indirect_dma semaphore(%arg20 : memref<!tpu.dma_semaphore, #tpu.memory_space<semaphore_mem>>) src(%dma_wait3A_193 : memref<10000x128xf32, #tpu.memory_space<hbm>>) dst(%arg10 : memref<40x128xf32, #tpu.memory_space<vmem>>)
      %mul3A_194 = arith.constant 40 : i32
      %mul3A_195 = arith.muli %mul3A_187, %mul3A_194 : i32
      %add3A_196 = arith.constant 5000 : i32
      %add3A_197 = arith.addi %add3A_196, %mul3A_195 : i32
      %dma_wait3A_198 = tpu.memref_slice %arg9[%add3A_197] : memref<10000xi32, #tpu.memory_space<vmem>> -> memref<40xi32, #tpu.memory_space<vmem>>
      %dma_wait3A_199 = arith.constant 0 : i32
      %dma_wait3A_200 = arith.constant 0 : i32
      %dma_wait3A_201 = tpu.memref_slice %arg2[%dma_wait3A_199, %dma_wait3A_200] : memref<10000x128xf32, #tpu.memory_space<hbm>> -> memref<10000x128xf32, #tpu.memory_space<hbm>>
      tpu.wait_indirect_dma semaphore(%arg22 : memref<!tpu.dma_semaphore, #tpu.memory_space<semaphore_mem>>) src(%dma_wait3A_201 : memref<10000x128xf32, #tpu.memory_space<hbm>>) dst(%arg12 : memref<40x128xf32, #tpu.memory_space<vmem>>)
      %mul3A_202 = arith.constant 40 : i32
      %mul3A_203 = arith.muli %mul3A_187, %mul3A_202 : i32
      %add3A_204 = arith.addi %mul3A_2, %mul3A_203 : i32
      %multiple_of3A_205 = tpu.assume_multiple %add3A_204, 8 : i32
      %dma_wait3A_206 = arith.constant 0 : i32
      %dma_wait3A_207 = tpu.memref_slice %arg3[%multiple_of3A_205, %dma_wait3A_206] : memref<160000x128xi32, #tpu.memory_space<hbm>> -> memref<40x128xi32, #tpu.memory_space<hbm>>
      %dma_wait3A_208 = arith.constant 0 : i32
      %dma_wait3A_209 = tpu.memref_slice %arg3[%multiple_of3A_205, %dma_wait3A_208] : memref<160000x128xi32, #tpu.memory_space<hbm>> -> memref<40x128xi32, #tpu.memory_space<hbm>>
      tpu.wait_dma2 semaphore(%arg24 : memref<!tpu.dma_semaphore, #tpu.memory_space<semaphore_mem>>) src(%dma_wait3A_209 : memref<40x128xi32, #tpu.memory_space<hbm>>) dst(%arg14 : memref<40x128xi32, #tpu.memory_space<vmem>>)
      %mul3A_210 = arith.constant 40 : i32
      %mul3A_211 = arith.muli %mul3A_187, %mul3A_210 : i32
      %add3A_212 = arith.addi %mul3A_2, %mul3A_211 : i32
      %multiple_of3A_213 = tpu.assume_multiple %add3A_212, 8 : i32
      %dma_wait3A_214 = tpu.memref_slice %arg4[%multiple_of3A_213] : memref<320000xi32, #tpu.memory_space<hbm>> -> memref<40xi32, #tpu.memory_space<hbm>>
      %dma_wait3A_215 = tpu.memref_slice %arg4[%multiple_of3A_213] : memref<320000xi32, #tpu.memory_space<hbm>> -> memref<40xi32, #tpu.memory_space<hbm>>
      tpu.wait_dma2 semaphore(%arg30 : memref<!tpu.dma_semaphore, #tpu.memory_space<semaphore_mem>>) src(%dma_wait3A_215 : memref<40xi32, #tpu.memory_space<hbm>>) dst(%arg16 : memref<40xi32, #tpu.memory_space<vmem>>)
      %add3A_216 = arith.constant 160000 : i32
      %add3A_217 = arith.addi %add3A_216, %multiple_of3A_213 : i32
      %dma_wait3A_218 = tpu.memref_slice %arg4[%add3A_217] : memref<320000xi32, #tpu.memory_space<hbm>> -> memref<40xi32, #tpu.memory_space<hbm>>
      %dma_wait3A_219 = tpu.memref_slice %arg4[%add3A_217] : memref<320000xi32, #tpu.memory_space<hbm>> -> memref<40xi32, #tpu.memory_space<hbm>>
      tpu.wait_dma2 semaphore(%arg30 : memref<!tpu.dma_semaphore, #tpu.memory_space<semaphore_mem>>) src(%dma_wait3A_219 : memref<40xi32, #tpu.memory_space<hbm>>) dst(%arg18 : memref<40xi32, #tpu.memory_space<vmem>>)
      %add3A_220 = arith.constant 1 : i32
      %add3A_221 = arith.addi %mul3A_187, %add3A_220 : i32
      %lt3A_222 = arith.constant 125 : i32
      %lt3A_223 = arith.cmpi slt, %add3A_221, %lt3A_222 : i32
      %convert_element_type3A_224 = arith.extui %lt3A_223 : i1 to i32
      %cond3A_225 = arith.constant 0 : i32
      %cond3A_226 = arith.cmpi ne, %convert_element_type3A_224, %cond3A_225 : i32
      scf.if %cond3A_226 {
        %ge3A = arith.constant 1 : i32
        %ge3A_294 = arith.cmpi sge, %mul3A_187, %ge3A : i32
        %convert_element_type3A_295 = arith.extui %ge3A_294 : i1 to i32
        %cond3A_296 = arith.constant 0 : i32
        %cond3A_297 = arith.cmpi ne, %convert_element_type3A_295, %cond3A_296 : i32
        scf.if %cond3A_297 {
          %dma_wait3A_332 = arith.constant 0 : i32
          %dma_wait3A_333 = arith.constant 0 : i32
          %dma_wait3A_334 = tpu.memref_slice %arg8[%dma_wait3A_332, %dma_wait3A_333] : memref<10000x128xf32, #tpu.memory_space<vmem_shared>> -> memref<10000x128xf32, #tpu.memory_space<vmem_shared>>
          tpu.wait_indirect_dma semaphore(%arg27 : memref<!tpu.dma_semaphore, #tpu.memory_space<semaphore_mem>>) src(%arg11 : memref<40x128xf32, #tpu.memory_space<vmem>>) dst(%dma_wait3A_334 : memref<10000x128xf32, #tpu.memory_space<vmem_shared>>)
          %dma_wait3A_335 = arith.constant 0 : i32
          %dma_wait3A_336 = arith.constant 0 : i32
          %dma_wait3A_337 = tpu.memref_slice %arg8[%dma_wait3A_335, %dma_wait3A_336] : memref<10000x128xf32, #tpu.memory_space<vmem_shared>> -> memref<10000x128xf32, #tpu.memory_space<vmem_shared>>
          tpu.wait_indirect_dma semaphore(%arg29 : memref<!tpu.dma_semaphore, #tpu.memory_space<semaphore_mem>>) src(%arg13 : memref<40x128xf32, #tpu.memory_space<vmem>>) dst(%dma_wait3A_337 : memref<10000x128xf32, #tpu.memory_space<vmem_shared>>)
        } else {
        }
        %add3A_298 = arith.constant 1 : i32
        %add3A_299 = arith.addi %mul3A_187, %add3A_298 : i32
        %mul3A_300 = arith.constant 40 : i32
        %mul3A_301 = arith.muli %add3A_299, %mul3A_300 : i32
        %dma_start3A_302 = tpu.memref_slice %arg9[%mul3A_301] : memref<10000xi32, #tpu.memory_space<vmem>> -> memref<40xi32, #tpu.memory_space<vmem>>
        %dma_start3A_303 = arith.constant 0 : i32
        %dma_start3A_304 = arith.constant 0 : i32
        %dma_start3A_305 = tpu.memref_slice %arg2[%dma_start3A_303, %dma_start3A_304] : memref<10000x128xf32, #tpu.memory_space<hbm>> -> memref<10000x128xf32, #tpu.memory_space<hbm>>
        tpu.enqueue_indirect_dma source(%dma_start3A_305 : memref<10000x128xf32, #tpu.memory_space<hbm>>) target(%arg11 : memref<40x128xf32, #tpu.memory_space<vmem>>) offsets(%dma_start3A_302 : memref<40xi32, #tpu.memory_space<vmem>>) semaphore(%arg21 : memref<!tpu.dma_semaphore, #tpu.memory_space<semaphore_mem>>)
        %mul3A_306 = arith.constant 40 : i32
        %mul3A_307 = arith.muli %add3A_299, %mul3A_306 : i32
        %add3A_308 = arith.constant 5000 : i32
        %add3A_309 = arith.addi %add3A_308, %mul3A_307 : i32
        %dma_start3A_310 = tpu.memref_slice %arg9[%add3A_309] : memref<10000xi32, #tpu.memory_space<vmem>> -> memref<40xi32, #tpu.memory_space<vmem>>
        %dma_start3A_311 = arith.constant 0 : i32
        %dma_start3A_312 = arith.constant 0 : i32
        %dma_start3A_313 = tpu.memref_slice %arg2[%dma_start3A_311, %dma_start3A_312] : memref<10000x128xf32, #tpu.memory_space<hbm>> -> memref<10000x128xf32, #tpu.memory_space<hbm>>
        tpu.enqueue_indirect_dma source(%dma_start3A_313 : memref<10000x128xf32, #tpu.memory_space<hbm>>) target(%arg13 : memref<40x128xf32, #tpu.memory_space<vmem>>) offsets(%dma_start3A_310 : memref<40xi32, #tpu.memory_space<vmem>>) semaphore(%arg23 : memref<!tpu.dma_semaphore, #tpu.memory_space<semaphore_mem>>)
        %mul3A_314 = arith.constant 40 : i32
        %mul3A_315 = arith.muli %add3A_299, %mul3A_314 : i32
        %add3A_316 = arith.addi %mul3A_2, %mul3A_315 : i32
        %multiple_of3A_317 = tpu.assume_multiple %add3A_316, 8 : i32
        %dma_start3A_318 = arith.constant 0 : i32
        %dma_start3A_319 = tpu.memref_slice %arg3[%multiple_of3A_317, %dma_start3A_318] : memref<160000x128xi32, #tpu.memory_space<hbm>> -> memref<40x128xi32, #tpu.memory_space<hbm>>
        %dma_start3A_320 = arith.constant 0 : i32
        %dma_start3A_321 = tpu.memref_slice %arg3[%multiple_of3A_317, %dma_start3A_320] : memref<160000x128xi32, #tpu.memory_space<hbm>> -> memref<40x128xi32, #tpu.memory_space<hbm>>
        tpu.enqueue_dma source(%dma_start3A_321 : memref<40x128xi32, #tpu.memory_space<hbm>>) target(%arg15 : memref<40x128xi32, #tpu.memory_space<vmem>>) target_semaphore(%arg25 : memref<!tpu.dma_semaphore, #tpu.memory_space<semaphore_mem>>)
        %mul3A_322 = arith.constant 40 : i32
        %mul3A_323 = arith.muli %add3A_299, %mul3A_322 : i32
        %add3A_324 = arith.addi %mul3A_2, %mul3A_323 : i32
        %multiple_of3A_325 = tpu.assume_multiple %add3A_324, 8 : i32
        %dma_start3A_326 = tpu.memref_slice %arg4[%multiple_of3A_325] : memref<320000xi32, #tpu.memory_space<hbm>> -> memref<40xi32, #tpu.memory_space<hbm>>
        %dma_start3A_327 = tpu.memref_slice %arg4[%multiple_of3A_325] : memref<320000xi32, #tpu.memory_space<hbm>> -> memref<40xi32, #tpu.memory_space<hbm>>
        tpu.enqueue_dma source(%dma_start3A_327 : memref<40xi32, #tpu.memory_space<hbm>>) target(%arg17 : memref<40xi32, #tpu.memory_space<vmem>>) target_semaphore(%arg31 : memref<!tpu.dma_semaphore, #tpu.memory_space<semaphore_mem>>)
        %add3A_328 = arith.constant 160000 : i32
        %add3A_329 = arith.addi %add3A_328, %multiple_of3A_325 : i32
        %dma_start3A_330 = tpu.memref_slice %arg4[%add3A_329] : memref<320000xi32, #tpu.memory_space<hbm>> -> memref<40xi32, #tpu.memory_space<hbm>>
        %dma_start3A_331 = tpu.memref_slice %arg4[%add3A_329] : memref<320000xi32, #tpu.memory_space<hbm>> -> memref<40xi32, #tpu.memory_space<hbm>>
        tpu.enqueue_dma source(%dma_start3A_331 : memref<40xi32, #tpu.memory_space<hbm>>) target(%arg19 : memref<40xi32, #tpu.memory_space<vmem>>) target_semaphore(%arg31 : memref<!tpu.dma_semaphore, #tpu.memory_space<semaphore_mem>>)
      } else {
      }
      %scan3A_227 = arith.constant 0 : i32
      %scan3A_228 = arith.constant 0 : i32
      %scan3A_229 = arith.constant 40 : i32
      %scan3A_230 = arith.addi %scan3A_228, %scan3A_229 : i32
      %scan3A_231 = arith.constant 1 : i32
      scf.for %scan3A_294 = %scan3A_228 to %scan3A_230 step %scan3A_231  : i32 {
        %get3A = arith.index_cast %scan3A_294 : i32 to index
        %get3A_295 = arith.constant 0 : index
        %get3A_296 = tpu.vector_load %arg14[%get3A, %get3A_295] {strides = array<i32>} : memref<40x128xi32, #tpu.memory_space<vmem>>, vector<1x16xi32>,
        %get3A_297 = vector.shape_cast %get3A_296 : vector<1x16xi32> to vector<16xi32>
        %mul3A_298 = arith.constant 65536 : i32
        %mul3A_299 = vector.broadcast %mul3A_298 : i32 to vector<16xi32>
        %mul3A_300 = arith.muli %get3A_297, %mul3A_299 : vector<16xi32>
        %bitcast_convert_type3A = tpu.bitcast %mul3A_300 : vector<16xi32> -> vector<16xf32>
        %and3A = arith.constant -65536 : i32
        %and3A_301 = vector.broadcast %and3A : i32 to vector<16xi32>
        %and3A_302 = arith.andi %get3A_297, %and3A_301 : vector<16xi32>
        %bitcast_convert_type3A_303 = tpu.bitcast %and3A_302 : vector<16xi32> -> vector<16xf32>
        %get3A_304 = arith.index_cast %scan3A_294 : i32 to index
        %get3A_305 = arith.constant 0 : index
        %get3A_306 = tpu.vector_load %arg10[%get3A_304, %get3A_305] {strides = array<i32>} : memref<40x128xf32, #tpu.memory_space<vmem>>, vector<1x16xf32>,
        %get3A_307 = vector.shape_cast %get3A_306 : vector<1x16xf32> to vector<16xf32>
        %mul3A_308 = arith.mulf %get3A_307, %bitcast_convert_type3A : vector<16xf32>
        %swap3A = arith.index_cast %scan3A_294 : i32 to index
        %swap3A_309 = arith.constant 0 : index
        %swap3A_310 = tpu.vector_load %arg10[%swap3A, %swap3A_309] {strides = array<i32>} : memref<40x128xf32, #tpu.memory_space<vmem>>, vector<1x16xf32>,
        %swap3A_311 = vector.shape_cast %swap3A_310 : vector<1x16xf32> to vector<16xf32>
        %swap3A_312 = vector.shape_cast %mul3A_308 : vector<16xf32> to vector<1x16xf32>
        tpu.vector_store %arg10[%swap3A, %swap3A_309], %swap3A_312 {strides = array<i32>} : memref<40x128xf32, #tpu.memory_space<vmem>>, vector<1x16xf32>,
        %get3A_313 = arith.index_cast %scan3A_294 : i32 to index
        %get3A_314 = arith.constant 0 : index
        %get3A_315 = tpu.vector_load %arg12[%get3A_313, %get3A_314] {strides = array<i32>} : memref<40x128xf32, #tpu.memory_space<vmem>>, vector<1x16xf32>,
        %get3A_316 = vector.shape_cast %get3A_315 : vector<1x16xf32> to vector<16xf32>
        %mul3A_317 = arith.mulf %get3A_316, %bitcast_convert_type3A_303 : vector<16xf32>
        %swap3A_318 = arith.index_cast %scan3A_294 : i32 to index
        %swap3A_319 = arith.constant 0 : index
        %swap3A_320 = tpu.vector_load %arg12[%swap3A_318, %swap3A_319] {strides = array<i32>} : memref<40x128xf32, #tpu.memory_space<vmem>>, vector<1x16xf32>,
        %swap3A_321 = vector.shape_cast %swap3A_320 : vector<1x16xf32> to vector<16xf32>
        %swap3A_322 = vector.shape_cast %mul3A_317 : vector<16xf32> to vector<1x16xf32>
        tpu.vector_store %arg12[%swap3A_318, %swap3A_319], %swap3A_322 {strides = array<i32>} : memref<40x128xf32, #tpu.memory_space<vmem>>, vector<1x16xf32>,
        %get3A_323 = arith.index_cast %scan3A_294 : i32 to index
        %get3A_324 = arith.constant 16 : index
        %get3A_325 = tpu.vector_load %arg14[%get3A_323, %get3A_324] {strides = array<i32>} : memref<40x128xi32, #tpu.memory_space<vmem>>, vector<1x16xi32>,
        %get3A_326 = vector.shape_cast %get3A_325 : vector<1x16xi32> to vector<16xi32>
        %mul3A_327 = arith.constant 65536 : i32
        %mul3A_328 = vector.broadcast %mul3A_327 : i32 to vector<16xi32>
        %mul3A_329 = arith.muli %get3A_326, %mul3A_328 : vector<16xi32>
        %bitcast_convert_type3A_330 = tpu.bitcast %mul3A_329 : vector<16xi32> -> vector<16xf32>
        %and3A_331 = arith.constant -65536 : i32
        %and3A_332 = vector.broadcast %and3A_331 : i32 to vector<16xi32>
        %and3A_333 = arith.andi %get3A_326, %and3A_332 : vector<16xi32>
        %bitcast_convert_type3A_334 = tpu.bitcast %and3A_333 : vector<16xi32> -> vector<16xf32>
        %get3A_335 = arith.index_cast %scan3A_294 : i32 to index
        %get3A_336 = arith.constant 16 : index
        %get3A_337 = tpu.vector_load %arg10[%get3A_335, %get3A_336] {strides = array<i32>} : memref<40x128xf32, #tpu.memory_space<vmem>>, vector<1x16xf32>,
        %get3A_338 = vector.shape_cast %get3A_337 : vector<1x16xf32> to vector<16xf32>
        %mul3A_339 = arith.mulf %get3A_338, %bitcast_convert_type3A_330 : vector<16xf32>
        %swap3A_340 = arith.index_cast %scan3A_294 : i32 to index
        %swap3A_341 = arith.constant 16 : index
        %swap3A_342 = tpu.vector_load %arg10[%swap3A_340, %swap3A_341] {strides = array<i32>} : memref<40x128xf32, #tpu.memory_space<vmem>>, vector<1x16xf32>,
        %swap3A_343 = vector.shape_cast %swap3A_342 : vector<1x16xf32> to vector<16xf32>
        %swap3A_344 = vector.shape_cast %mul3A_339 : vector<16xf32> to vector<1x16xf32>
        tpu.vector_store %arg10[%swap3A_340, %swap3A_341], %swap3A_344 {strides = array<i32>} : memref<40x128xf32, #tpu.memory_space<vmem>>, vector<1x16xf32>,
        %get3A_345 = arith.index_cast %scan3A_294 : i32 to index
        %get3A_346 = arith.constant 16 : index
        %get3A_347 = tpu.vector_load %arg12[%get3A_345, %get3A_346] {strides = array<i32>} : memref<40x128xf32, #tpu.memory_space<vmem>>, vector<1x16xf32>,
        %get3A_348 = vector.shape_cast %get3A_347 : vector<1x16xf32> to vector<16xf32>
        %mul3A_349 = arith.mulf %get3A_348, %bitcast_convert_type3A_334 : vector<16xf32>
        %swap3A_350 = arith.index_cast %scan3A_294 : i32 to index
        %swap3A_351 = arith.constant 16 : index
        %swap3A_352 = tpu.vector_load %arg12[%swap3A_350, %swap3A_351] {strides = array<i32>} : memref<40x128xf32, #tpu.memory_space<vmem>>, vector<1x16xf32>,
        %swap3A_353 = vector.shape_cast %swap3A_352 : vector<1x16xf32> to vector<16xf32>
        %swap3A_354 = vector.shape_cast %mul3A_349 : vector<16xf32> to vector<1x16xf32>
        tpu.vector_store %arg12[%swap3A_350, %swap3A_351], %swap3A_354 {strides = array<i32>} : memref<40x128xf32, #tpu.memory_space<vmem>>, vector<1x16xf32>,
        %get3A_355 = arith.index_cast %scan3A_294 : i32 to index
        %get3A_356 = arith.constant 32 : index
        %get3A_357 = tpu.vector_load %arg14[%get3A_355, %get3A_356] {strides = array<i32>} : memref<40x128xi32, #tpu.memory_space<vmem>>, vector<1x16xi32>,
        %get3A_358 = vector.shape_cast %get3A_357 : vector<1x16xi32> to vector<16xi32>
        %mul3A_359 = arith.constant 65536 : i32
        %mul3A_360 = vector.broadcast %mul3A_359 : i32 to vector<16xi32>
        %mul3A_361 = arith.muli %get3A_358, %mul3A_360 : vector<16xi32>
        %bitcast_convert_type3A_362 = tpu.bitcast %mul3A_361 : vector<16xi32> -> vector<16xf32>
        %and3A_363 = arith.constant -65536 : i32
        %and3A_364 = vector.broadcast %and3A_363 : i32 to vector<16xi32>
        %and3A_365 = arith.andi %get3A_358, %and3A_364 : vector<16xi32>
        %bitcast_convert_type3A_366 = tpu.bitcast %and3A_365 : vector<16xi32> -> vector<16xf32>
        %get3A_367 = arith.index_cast %scan3A_294 : i32 to index
        %get3A_368 = arith.constant 32 : index
        %get3A_369 = tpu.vector_load %arg10[%get3A_367, %get3A_368] {strides = array<i32>} : memref<40x128xf32, #tpu.memory_space<vmem>>, vector<1x16xf32>,
        %get3A_370 = vector.shape_cast %get3A_369 : vector<1x16xf32> to vector<16xf32>
        %mul3A_371 = arith.mulf %get3A_370, %bitcast_convert_type3A_362 : vector<16xf32>
        %swap3A_372 = arith.index_cast %scan3A_294 : i32 to index
        %swap3A_373 = arith.constant 32 : index
        %swap3A_374 = tpu.vector_load %arg10[%swap3A_372, %swap3A_373] {strides = array<i32>} : memref<40x128xf32, #tpu.memory_space<vmem>>, vector<1x16xf32>,
        %swap3A_375 = vector.shape_cast %swap3A_374 : vector<1x16xf32> to vector<16xf32>
        %swap3A_376 = vector.shape_cast %mul3A_371 : vector<16xf32> to vector<1x16xf32>
        tpu.vector_store %arg10[%swap3A_372, %swap3A_373], %swap3A_376 {strides = array<i32>} : memref<40x128xf32, #tpu.memory_space<vmem>>, vector<1x16xf32>,
        %get3A_377 = arith.index_cast %scan3A_294 : i32 to index
        %get3A_378 = arith.constant 32 : index
        %get3A_379 = tpu.vector_load %arg12[%get3A_377, %get3A_378] {strides = array<i32>} : memref<40x128xf32, #tpu.memory_space<vmem>>, vector<1x16xf32>,
        %get3A_380 = vector.shape_cast %get3A_379 : vector<1x16xf32> to vector<16xf32>
        %mul3A_381 = arith.mulf %get3A_380, %bitcast_convert_type3A_366 : vector<16xf32>
        %swap3A_382 = arith.index_cast %scan3A_294 : i32 to index
        %swap3A_383 = arith.constant 32 : index
        %swap3A_384 = tpu.vector_load %arg12[%swap3A_382, %swap3A_383] {strides = array<i32>} : memref<40x128xf32, #tpu.memory_space<vmem>>, vector<1x16xf32>,
        %swap3A_385 = vector.shape_cast %swap3A_384 : vector<1x16xf32> to vector<16xf32>
        %swap3A_386 = vector.shape_cast %mul3A_381 : vector<16xf32> to vector<1x16xf32>
        tpu.vector_store %arg12[%swap3A_382, %swap3A_383], %swap3A_386 {strides = array<i32>} : memref<40x128xf32, #tpu.memory_space<vmem>>, vector<1x16xf32>,
        %get3A_387 = arith.index_cast %scan3A_294 : i32 to index
        %get3A_388 = arith.constant 48 : index
        %get3A_389 = tpu.vector_load %arg14[%get3A_387, %get3A_388] {strides = array<i32>} : memref<40x128xi32, #tpu.memory_space<vmem>>, vector<1x16xi32>,
        %get3A_390 = vector.shape_cast %get3A_389 : vector<1x16xi32> to vector<16xi32>
        %mul3A_391 = arith.constant 65536 : i32
        %mul3A_392 = vector.broadcast %mul3A_391 : i32 to vector<16xi32>
        %mul3A_393 = arith.muli %get3A_390, %mul3A_392 : vector<16xi32>
        %bitcast_convert_type3A_394 = tpu.bitcast %mul3A_393 : vector<16xi32> -> vector<16xf32>
        %and3A_395 = arith.constant -65536 : i32
        %and3A_396 = vector.broadcast %and3A_395 : i32 to vector<16xi32>
        %and3A_397 = arith.andi %get3A_390, %and3A_396 : vector<16xi32>
        %bitcast_convert_type3A_398 = tpu.bitcast %and3A_397 : vector<16xi32> -> vector<16xf32>
        %get3A_399 = arith.index_cast %scan3A_294 : i32 to index
        %get3A_400 = arith.constant 48 : index
        %get3A_401 = tpu.vector_load %arg10[%get3A_399, %get3A_400] {strides = array<i32>} : memref<40x128xf32, #tpu.memory_space<vmem>>, vector<1x16xf32>,
        %get3A_402 = vector.shape_cast %get3A_401 : vector<1x16xf32> to vector<16xf32>
        %mul3A_403 = arith.mulf %get3A_402, %bitcast_convert_type3A_394 : vector<16xf32>
        %swap3A_404 = arith.index_cast %scan3A_294 : i32 to index
        %swap3A_405 = arith.constant 48 : index
        %swap3A_406 = tpu.vector_load %arg10[%swap3A_404, %swap3A_405] {strides = array<i32>} : memref<40x128xf32, #tpu.memory_space<vmem>>, vector<1x16xf32>,
        %swap3A_407 = vector.shape_cast %swap3A_406 : vector<1x16xf32> to vector<16xf32>
        %swap3A_408 = vector.shape_cast %mul3A_403 : vector<16xf32> to vector<1x16xf32>
        tpu.vector_store %arg10[%swap3A_404, %swap3A_405], %swap3A_408 {strides = array<i32>} : memref<40x128xf32, #tpu.memory_space<vmem>>, vector<1x16xf32>,
        %get3A_409 = arith.index_cast %scan3A_294 : i32 to index
        %get3A_410 = arith.constant 48 : index
        %get3A_411 = tpu.vector_load %arg12[%get3A_409, %get3A_410] {strides = array<i32>} : memref<40x128xf32, #tpu.memory_space<vmem>>, vector<1x16xf32>,
        %get3A_412 = vector.shape_cast %get3A_411 : vector<1x16xf32> to vector<16xf32>
        %mul3A_413 = arith.mulf %get3A_412, %bitcast_convert_type3A_398 : vector<16xf32>
        %swap3A_414 = arith.index_cast %scan3A_294 : i32 to index
        %swap3A_415 = arith.constant 48 : index
        %swap3A_416 = tpu.vector_load %arg12[%swap3A_414, %swap3A_415] {strides = array<i32>} : memref<40x128xf32, #tpu.memory_space<vmem>>, vector<1x16xf32>,
        %swap3A_417 = vector.shape_cast %swap3A_416 : vector<1x16xf32> to vector<16xf32>
        %swap3A_418 = vector.shape_cast %mul3A_413 : vector<16xf32> to vector<1x16xf32>
        tpu.vector_store %arg12[%swap3A_414, %swap3A_415], %swap3A_418 {strides = array<i32>} : memref<40x128xf32, #tpu.memory_space<vmem>>, vector<1x16xf32>,
        %get3A_419 = arith.index_cast %scan3A_294 : i32 to index
        %get3A_420 = arith.constant 64 : index
        %get3A_421 = tpu.vector_load %arg14[%get3A_419, %get3A_420] {strides = array<i32>} : memref<40x128xi32, #tpu.memory_space<vmem>>, vector<1x16xi32>,
        %get3A_422 = vector.shape_cast %get3A_421 : vector<1x16xi32> to vector<16xi32>
        %mul3A_423 = arith.constant 65536 : i32
        %mul3A_424 = vector.broadcast %mul3A_423 : i32 to vector<16xi32>
        %mul3A_425 = arith.muli %get3A_422, %mul3A_424 : vector<16xi32>
        %bitcast_convert_type3A_426 = tpu.bitcast %mul3A_425 : vector<16xi32> -> vector<16xf32>
        %and3A_427 = arith.constant -65536 : i32
        %and3A_428 = vector.broadcast %and3A_427 : i32 to vector<16xi32>
        %and3A_429 = arith.andi %get3A_422, %and3A_428 : vector<16xi32>
        %bitcast_convert_type3A_430 = tpu.bitcast %and3A_429 : vector<16xi32> -> vector<16xf32>
        %get3A_431 = arith.index_cast %scan3A_294 : i32 to index
        %get3A_432 = arith.constant 64 : index
        %get3A_433 = tpu.vector_load %arg10[%get3A_431, %get3A_432] {strides = array<i32>} : memref<40x128xf32, #tpu.memory_space<vmem>>, vector<1x16xf32>,
        %get3A_434 = vector.shape_cast %get3A_433 : vector<1x16xf32> to vector<16xf32>
        %mul3A_435 = arith.mulf %get3A_434, %bitcast_convert_type3A_426 : vector<16xf32>
        %swap3A_436 = arith.index_cast %scan3A_294 : i32 to index
        %swap3A_437 = arith.constant 64 : index
        %swap3A_438 = tpu.vector_load %arg10[%swap3A_436, %swap3A_437] {strides = array<i32>} : memref<40x128xf32, #tpu.memory_space<vmem>>, vector<1x16xf32>,
        %swap3A_439 = vector.shape_cast %swap3A_438 : vector<1x16xf32> to vector<16xf32>
        %swap3A_440 = vector.shape_cast %mul3A_435 : vector<16xf32> to vector<1x16xf32>
        tpu.vector_store %arg10[%swap3A_436, %swap3A_437], %swap3A_440 {strides = array<i32>} : memref<40x128xf32, #tpu.memory_space<vmem>>, vector<1x16xf32>,
        %get3A_441 = arith.index_cast %scan3A_294 : i32 to index
        %get3A_442 = arith.constant 64 : index
        %get3A_443 = tpu.vector_load %arg12[%get3A_441, %get3A_442] {strides = array<i32>} : memref<40x128xf32, #tpu.memory_space<vmem>>, vector<1x16xf32>,
        %get3A_444 = vector.shape_cast %get3A_443 : vector<1x16xf32> to vector<16xf32>
        %mul3A_445 = arith.mulf %get3A_444, %bitcast_convert_type3A_430 : vector<16xf32>
        %swap3A_446 = arith.index_cast %scan3A_294 : i32 to index
        %swap3A_447 = arith.constant 64 : index
        %swap3A_448 = tpu.vector_load %arg12[%swap3A_446, %swap3A_447] {strides = array<i32>} : memref<40x128xf32, #tpu.memory_space<vmem>>, vector<1x16xf32>,
        %swap3A_449 = vector.shape_cast %swap3A_448 : vector<1x16xf32> to vector<16xf32>
        %swap3A_450 = vector.shape_cast %mul3A_445 : vector<16xf32> to vector<1x16xf32>
        tpu.vector_store %arg12[%swap3A_446, %swap3A_447], %swap3A_450 {strides = array<i32>} : memref<40x128xf32, #tpu.memory_space<vmem>>, vector<1x16xf32>,
        %get3A_451 = arith.index_cast %scan3A_294 : i32 to index
        %get3A_452 = arith.constant 80 : index
        %get3A_453 = tpu.vector_load %arg14[%get3A_451, %get3A_452] {strides = array<i32>} : memref<40x128xi32, #tpu.memory_space<vmem>>, vector<1x16xi32>,
        %get3A_454 = vector.shape_cast %get3A_453 : vector<1x16xi32> to vector<16xi32>
        %mul3A_455 = arith.constant 65536 : i32
        %mul3A_456 = vector.broadcast %mul3A_455 : i32 to vector<16xi32>
        %mul3A_457 = arith.muli %get3A_454, %mul3A_456 : vector<16xi32>
        %bitcast_convert_type3A_458 = tpu.bitcast %mul3A_457 : vector<16xi32> -> vector<16xf32>
        %and3A_459 = arith.constant -65536 : i32
        %and3A_460 = vector.broadcast %and3A_459 : i32 to vector<16xi32>
        %and3A_461 = arith.andi %get3A_454, %and3A_460 : vector<16xi32>
        %bitcast_convert_type3A_462 = tpu.bitcast %and3A_461 : vector<16xi32> -> vector<16xf32>
        %get3A_463 = arith.index_cast %scan3A_294 : i32 to index
        %get3A_464 = arith.constant 80 : index
        %get3A_465 = tpu.vector_load %arg10[%get3A_463, %get3A_464] {strides = array<i32>} : memref<40x128xf32, #tpu.memory_space<vmem>>, vector<1x16xf32>,
        %get3A_466 = vector.shape_cast %get3A_465 : vector<1x16xf32> to vector<16xf32>
        %mul3A_467 = arith.mulf %get3A_466, %bitcast_convert_type3A_458 : vector<16xf32>
        %swap3A_468 = arith.index_cast %scan3A_294 : i32 to index
        %swap3A_469 = arith.constant 80 : index
        %swap3A_470 = tpu.vector_load %arg10[%swap3A_468, %swap3A_469] {strides = array<i32>} : memref<40x128xf32, #tpu.memory_space<vmem>>, vector<1x16xf32>,
        %swap3A_471 = vector.shape_cast %swap3A_470 : vector<1x16xf32> to vector<16xf32>
        %swap3A_472 = vector.shape_cast %mul3A_467 : vector<16xf32> to vector<1x16xf32>
        tpu.vector_store %arg10[%swap3A_468, %swap3A_469], %swap3A_472 {strides = array<i32>} : memref<40x128xf32, #tpu.memory_space<vmem>>, vector<1x16xf32>,
        %get3A_473 = arith.index_cast %scan3A_294 : i32 to index
        %get3A_474 = arith.constant 80 : index
        %get3A_475 = tpu.vector_load %arg12[%get3A_473, %get3A_474] {strides = array<i32>} : memref<40x128xf32, #tpu.memory_space<vmem>>, vector<1x16xf32>,
        %get3A_476 = vector.shape_cast %get3A_475 : vector<1x16xf32> to vector<16xf32>
        %mul3A_477 = arith.mulf %get3A_476, %bitcast_convert_type3A_462 : vector<16xf32>
        %swap3A_478 = arith.index_cast %scan3A_294 : i32 to index
        %swap3A_479 = arith.constant 80 : index
        %swap3A_480 = tpu.vector_load %arg12[%swap3A_478, %swap3A_479] {strides = array<i32>} : memref<40x128xf32, #tpu.memory_space<vmem>>, vector<1x16xf32>,
        %swap3A_481 = vector.shape_cast %swap3A_480 : vector<1x16xf32> to vector<16xf32>
        %swap3A_482 = vector.shape_cast %mul3A_477 : vector<16xf32> to vector<1x16xf32>
        tpu.vector_store %arg12[%swap3A_478, %swap3A_479], %swap3A_482 {strides = array<i32>} : memref<40x128xf32, #tpu.memory_space<vmem>>, vector<1x16xf32>,
        %get3A_483 = arith.index_cast %scan3A_294 : i32 to index
        %get3A_484 = arith.constant 96 : index
        %get3A_485 = tpu.vector_load %arg14[%get3A_483, %get3A_484] {strides = array<i32>} : memref<40x128xi32, #tpu.memory_space<vmem>>, vector<1x16xi32>,
        %get3A_486 = vector.shape_cast %get3A_485 : vector<1x16xi32> to vector<16xi32>
        %mul3A_487 = arith.constant 65536 : i32
        %mul3A_488 = vector.broadcast %mul3A_487 : i32 to vector<16xi32>
        %mul3A_489 = arith.muli %get3A_486, %mul3A_488 : vector<16xi32>
        %bitcast_convert_type3A_490 = tpu.bitcast %mul3A_489 : vector<16xi32> -> vector<16xf32>
        %and3A_491 = arith.constant -65536 : i32
        %and3A_492 = vector.broadcast %and3A_491 : i32 to vector<16xi32>
        %and3A_493 = arith.andi %get3A_486, %and3A_492 : vector<16xi32>
        %bitcast_convert_type3A_494 = tpu.bitcast %and3A_493 : vector<16xi32> -> vector<16xf32>
        %get3A_495 = arith.index_cast %scan3A_294 : i32 to index
        %get3A_496 = arith.constant 96 : index
        %get3A_497 = tpu.vector_load %arg10[%get3A_495, %get3A_496] {strides = array<i32>} : memref<40x128xf32, #tpu.memory_space<vmem>>, vector<1x16xf32>,
        %get3A_498 = vector.shape_cast %get3A_497 : vector<1x16xf32> to vector<16xf32>
        %mul3A_499 = arith.mulf %get3A_498, %bitcast_convert_type3A_490 : vector<16xf32>
        %swap3A_500 = arith.index_cast %scan3A_294 : i32 to index
        %swap3A_501 = arith.constant 96 : index
        %swap3A_502 = tpu.vector_load %arg10[%swap3A_500, %swap3A_501] {strides = array<i32>} : memref<40x128xf32, #tpu.memory_space<vmem>>, vector<1x16xf32>,
        %swap3A_503 = vector.shape_cast %swap3A_502 : vector<1x16xf32> to vector<16xf32>
        %swap3A_504 = vector.shape_cast %mul3A_499 : vector<16xf32> to vector<1x16xf32>
        tpu.vector_store %arg10[%swap3A_500, %swap3A_501], %swap3A_504 {strides = array<i32>} : memref<40x128xf32, #tpu.memory_space<vmem>>, vector<1x16xf32>,
        %get3A_505 = arith.index_cast %scan3A_294 : i32 to index
        %get3A_506 = arith.constant 96 : index
        %get3A_507 = tpu.vector_load %arg12[%get3A_505, %get3A_506] {strides = array<i32>} : memref<40x128xf32, #tpu.memory_space<vmem>>, vector<1x16xf32>,
        %get3A_508 = vector.shape_cast %get3A_507 : vector<1x16xf32> to vector<16xf32>
        %mul3A_509 = arith.mulf %get3A_508, %bitcast_convert_type3A_494 : vector<16xf32>
        %swap3A_510 = arith.index_cast %scan3A_294 : i32 to index
        %swap3A_511 = arith.constant 96 : index
        %swap3A_512 = tpu.vector_load %arg12[%swap3A_510, %swap3A_511] {strides = array<i32>} : memref<40x128xf32, #tpu.memory_space<vmem>>, vector<1x16xf32>,
        %swap3A_513 = vector.shape_cast %swap3A_512 : vector<1x16xf32> to vector<16xf32>
        %swap3A_514 = vector.shape_cast %mul3A_509 : vector<16xf32> to vector<1x16xf32>
        tpu.vector_store %arg12[%swap3A_510, %swap3A_511], %swap3A_514 {strides = array<i32>} : memref<40x128xf32, #tpu.memory_space<vmem>>, vector<1x16xf32>,
        %get3A_515 = arith.index_cast %scan3A_294 : i32 to index
        %get3A_516 = arith.constant 112 : index
        %get3A_517 = tpu.vector_load %arg14[%get3A_515, %get3A_516] {strides = array<i32>} : memref<40x128xi32, #tpu.memory_space<vmem>>, vector<1x16xi32>,
        %get3A_518 = vector.shape_cast %get3A_517 : vector<1x16xi32> to vector<16xi32>
        %mul3A_519 = arith.constant 65536 : i32
        %mul3A_520 = vector.broadcast %mul3A_519 : i32 to vector<16xi32>
        %mul3A_521 = arith.muli %get3A_518, %mul3A_520 : vector<16xi32>
        %bitcast_convert_type3A_522 = tpu.bitcast %mul3A_521 : vector<16xi32> -> vector<16xf32>
        %and3A_523 = arith.constant -65536 : i32
        %and3A_524 = vector.broadcast %and3A_523 : i32 to vector<16xi32>
        %and3A_525 = arith.andi %get3A_518, %and3A_524 : vector<16xi32>
        %bitcast_convert_type3A_526 = tpu.bitcast %and3A_525 : vector<16xi32> -> vector<16xf32>
        %get3A_527 = arith.index_cast %scan3A_294 : i32 to index
        %get3A_528 = arith.constant 112 : index
        %get3A_529 = tpu.vector_load %arg10[%get3A_527, %get3A_528] {strides = array<i32>} : memref<40x128xf32, #tpu.memory_space<vmem>>, vector<1x16xf32>,
        %get3A_530 = vector.shape_cast %get3A_529 : vector<1x16xf32> to vector<16xf32>
        %mul3A_531 = arith.mulf %get3A_530, %bitcast_convert_type3A_522 : vector<16xf32>
        %swap3A_532 = arith.index_cast %scan3A_294 : i32 to index
        %swap3A_533 = arith.constant 112 : index
        %swap3A_534 = tpu.vector_load %arg10[%swap3A_532, %swap3A_533] {strides = array<i32>} : memref<40x128xf32, #tpu.memory_space<vmem>>, vector<1x16xf32>,
        %swap3A_535 = vector.shape_cast %swap3A_534 : vector<1x16xf32> to vector<16xf32>
        %swap3A_536 = vector.shape_cast %mul3A_531 : vector<16xf32> to vector<1x16xf32>
        tpu.vector_store %arg10[%swap3A_532, %swap3A_533], %swap3A_536 {strides = array<i32>} : memref<40x128xf32, #tpu.memory_space<vmem>>, vector<1x16xf32>,
        %get3A_537 = arith.index_cast %scan3A_294 : i32 to index
        %get3A_538 = arith.constant 112 : index
        %get3A_539 = tpu.vector_load %arg12[%get3A_537, %get3A_538] {strides = array<i32>} : memref<40x128xf32, #tpu.memory_space<vmem>>, vector<1x16xf32>,
        %get3A_540 = vector.shape_cast %get3A_539 : vector<1x16xf32> to vector<16xf32>
        %mul3A_541 = arith.mulf %get3A_540, %bitcast_convert_type3A_526 : vector<16xf32>
        %swap3A_542 = arith.index_cast %scan3A_294 : i32 to index
        %swap3A_543 = arith.constant 112 : index
        %swap3A_544 = tpu.vector_load %arg12[%swap3A_542, %swap3A_543] {strides = array<i32>} : memref<40x128xf32, #tpu.memory_space<vmem>>, vector<1x16xf32>,
        %swap3A_545 = vector.shape_cast %swap3A_544 : vector<1x16xf32> to vector<16xf32>
        %swap3A_546 = vector.shape_cast %mul3A_541 : vector<16xf32> to vector<1x16xf32>
        tpu.vector_store %arg12[%swap3A_542, %swap3A_543], %swap3A_546 {strides = array<i32>} : memref<40x128xf32, #tpu.memory_space<vmem>>, vector<1x16xf32>,
      }
      %scan3A_232 = arith.constant 40 : i32
      %dma_start3A_233 = arith.constant 0 : i32
      %dma_start3A_234 = arith.constant 0 : i32
      %dma_start3A_235 = tpu.memref_slice %arg8[%dma_start3A_233, %dma_start3A_234] : memref<10000x128xf32, #tpu.memory_space<vmem_shared>> -> memref<10000x128xf32, #tpu.memory_space<vmem_shared>>
      tpu.enqueue_indirect_dma source(%arg10 : memref<40x128xf32, #tpu.memory_space<vmem>>) target(%dma_start3A_235 : memref<10000x128xf32, #tpu.memory_space<vmem_shared>>) offsets(%arg16 : memref<40xi32, #tpu.memory_space<vmem>>) semaphore(%arg26 : memref<!tpu.dma_semaphore, #tpu.memory_space<semaphore_mem>>) {add = true}
      %dma_start3A_236 = arith.constant 0 : i32
      %dma_start3A_237 = arith.constant 0 : i32
      %dma_start3A_238 = tpu.memref_slice %arg8[%dma_start3A_236, %dma_start3A_237] : memref<10000x128xf32, #tpu.memory_space<vmem_shared>> -> memref<10000x128xf32, #tpu.memory_space<vmem_shared>>
      tpu.enqueue_indirect_dma source(%arg12 : memref<40x128xf32, #tpu.memory_space<vmem>>) target(%dma_start3A_238 : memref<10000x128xf32, #tpu.memory_space<vmem_shared>>) offsets(%arg18 : memref<40xi32, #tpu.memory_space<vmem>>) semaphore(%arg28 : memref<!tpu.dma_semaphore, #tpu.memory_space<semaphore_mem>>) {add = true}
      %mul3A_239 = arith.constant 2 : i32
      %mul3A_240 = arith.muli %mul3A_239, %scan3A_185 : i32
      %add3A_241 = arith.constant 1 : i32
      %add3A_242 = arith.addi %mul3A_240, %add3A_241 : i32
      %mul3A_243 = arith.constant 40 : i32
      %mul3A_244 = arith.muli %add3A_242, %mul3A_243 : i32
      %dma_wait3A_245 = tpu.memref_slice %arg9[%mul3A_244] : memref<10000xi32, #tpu.memory_space<vmem>> -> memref<40xi32, #tpu.memory_space<vmem>>
      %dma_wait3A_246 = arith.constant 0 : i32
      %dma_wait3A_247 = arith.constant 0 : i32
      %dma_wait3A_248 = tpu.memref_slice %arg2[%dma_wait3A_246, %dma_wait3A_247] : memref<10000x128xf32, #tpu.memory_space<hbm>> -> memref<10000x128xf32, #tpu.memory_space<hbm>>
      tpu.wait_indirect_dma semaphore(%arg21 : memref<!tpu.dma_semaphore, #tpu.memory_space<semaphore_mem>>) src(%dma_wait3A_248 : memref<10000x128xf32, #tpu.memory_space<hbm>>) dst(%arg11 : memref<40x128xf32, #tpu.memory_space<vmem>>)
      %mul3A_249 = arith.constant 40 : i32
      %mul3A_250 = arith.muli %add3A_242, %mul3A_249 : i32
      %add3A_251 = arith.constant 5000 : i32
      %add3A_252 = arith.addi %add3A_251, %mul3A_250 : i32
      %dma_wait3A_253 = tpu.memref_slice %arg9[%add3A_252] : memref<10000xi32, #tpu.memory_space<vmem>> -> memref<40xi32, #tpu.memory_space<vmem>>
      %dma_wait3A_254 = arith.constant 0 : i32
      %dma_wait3A_255 = arith.constant 0 : i32
      %dma_wait3A_256 = tpu.memref_slice %arg2[%dma_wait3A_254, %dma_wait3A_255] : memref<10000x128xf32, #tpu.memory_space<hbm>> -> memref<10000x128xf32, #tpu.memory_space<hbm>>
      tpu.wait_indirect_dma semaphore(%arg23 : memref<!tpu.dma_semaphore, #tpu.memory_space<semaphore_mem>>) src(%dma_wait3A_256 : memref<10000x128xf32, #tpu.memory_space<hbm>>) dst(%arg13 : memref<40x128xf32, #tpu.memory_space<vmem>>)
      %mul3A_257 = arith.constant 40 : i32
      %mul3A_258 = arith.muli %add3A_242, %mul3A_257 : i32
      %add3A_259 = arith.addi %mul3A_2, %mul3A_258 : i32
      %multiple_of3A_260 = tpu.assume_multiple %add3A_259, 8 : i32
      %dma_wait3A_261 = arith.constant 0 : i32
      %dma_wait3A_262 = tpu.memref_slice %arg3[%multiple_of3A_260, %dma_wait3A_261] : memref<160000x128xi32, #tpu.memory_space<hbm>> -> memref<40x128xi32, #tpu.memory_space<hbm>>
      %dma_wait3A_263 = arith.constant 0 : i32
      %dma_wait3A_264 = tpu.memref_slice %arg3[%multiple_of3A_260, %dma_wait3A_263] : memref<160000x128xi32, #tpu.memory_space<hbm>> -> memref<40x128xi32, #tpu.memory_space<hbm>>
      tpu.wait_dma2 semaphore(%arg25 : memref<!tpu.dma_semaphore, #tpu.memory_space<semaphore_mem>>) src(%dma_wait3A_264 : memref<40x128xi32, #tpu.memory_space<hbm>>) dst(%arg15 : memref<40x128xi32, #tpu.memory_space<vmem>>)
      %mul3A_265 = arith.constant 40 : i32
      %mul3A_266 = arith.muli %add3A_242, %mul3A_265 : i32
      %add3A_267 = arith.addi %mul3A_2, %mul3A_266 : i32
      %multiple_of3A_268 = tpu.assume_multiple %add3A_267, 8 : i32
      %dma_wait3A_269 = tpu.memref_slice %arg4[%multiple_of3A_268] : memref<320000xi32, #tpu.memory_space<hbm>> -> memref<40xi32, #tpu.memory_space<hbm>>
      %dma_wait3A_270 = tpu.memref_slice %arg4[%multiple_of3A_268] : memref<320000xi32, #tpu.memory_space<hbm>> -> memref<40xi32, #tpu.memory_space<hbm>>
      tpu.wait_dma2 semaphore(%arg31 : memref<!tpu.dma_semaphore, #tpu.memory_space<semaphore_mem>>) src(%dma_wait3A_270 : memref<40xi32, #tpu.memory_space<hbm>>) dst(%arg17 : memref<40xi32, #tpu.memory_space<vmem>>)
      %add3A_271 = arith.constant 160000 : i32
      %add3A_272 = arith.addi %add3A_271, %multiple_of3A_268 : i32
      %dma_wait3A_273 = tpu.memref_slice %arg4[%add3A_272] : memref<320000xi32, #tpu.memory_space<hbm>> -> memref<40xi32, #tpu.memory_space<hbm>>
      %dma_wait3A_274 = tpu.memref_slice %arg4[%add3A_272] : memref<320000xi32, #tpu.memory_space<hbm>> -> memref<40xi32, #tpu.memory_space<hbm>>
      tpu.wait_dma2 semaphore(%arg31 : memref<!tpu.dma_semaphore, #tpu.memory_space<semaphore_mem>>) src(%dma_wait3A_274 : memref<40xi32, #tpu.memory_space<hbm>>) dst(%arg19 : memref<40xi32, #tpu.memory_space<vmem>>)
      %add3A_275 = arith.constant 1 : i32
      %add3A_276 = arith.addi %add3A_242, %add3A_275 : i32
      %lt3A_277 = arith.constant 125 : i32
      %lt3A_278 = arith.cmpi slt, %add3A_276, %lt3A_277 : i32
      %convert_element_type3A_279 = arith.extui %lt3A_278 : i1 to i32
      %cond3A_280 = arith.constant 0 : i32
      %cond3A_281 = arith.cmpi ne, %convert_element_type3A_279, %cond3A_280 : i32
      scf.if %cond3A_281 {
        %ge3A = arith.constant 1 : i32
        %ge3A_294 = arith.cmpi sge, %add3A_242, %ge3A : i32
        %convert_element_type3A_295 = arith.extui %ge3A_294 : i1 to i32
        %cond3A_296 = arith.constant 0 : i32
        %cond3A_297 = arith.cmpi ne, %convert_element_type3A_295, %cond3A_296 : i32
        scf.if %cond3A_297 {
          %dma_wait3A_332 = arith.constant 0 : i32
          %dma_wait3A_333 = arith.constant 0 : i32
          %dma_wait3A_334 = tpu.memref_slice %arg8[%dma_wait3A_332, %dma_wait3A_333] : memref<10000x128xf32, #tpu.memory_space<vmem_shared>> -> memref<10000x128xf32, #tpu.memory_space<vmem_shared>>
          tpu.wait_indirect_dma semaphore(%arg26 : memref<!tpu.dma_semaphore, #tpu.memory_space<semaphore_mem>>) src(%arg10 : memref<40x128xf32, #tpu.memory_space<vmem>>) dst(%dma_wait3A_334 : memref<10000x128xf32, #tpu.memory_space<vmem_shared>>)
          %dma_wait3A_335 = arith.constant 0 : i32
          %dma_wait3A_336 = arith.constant 0 : i32
          %dma_wait3A_337 = tpu.memref_slice %arg8[%dma_wait3A_335, %dma_wait3A_336] : memref<10000x128xf32, #tpu.memory_space<vmem_shared>> -> memref<10000x128xf32, #tpu.memory_space<vmem_shared>>
          tpu.wait_indirect_dma semaphore(%arg28 : memref<!tpu.dma_semaphore, #tpu.memory_space<semaphore_mem>>) src(%arg12 : memref<40x128xf32, #tpu.memory_space<vmem>>) dst(%dma_wait3A_337 : memref<10000x128xf32, #tpu.memory_space<vmem_shared>>)
        } else {
        }
        %add3A_298 = arith.constant 1 : i32
        %add3A_299 = arith.addi %add3A_242, %add3A_298 : i32
        %mul3A_300 = arith.constant 40 : i32
        %mul3A_301 = arith.muli %add3A_299, %mul3A_300 : i32
        %dma_start3A_302 = tpu.memref_slice %arg9[%mul3A_301] : memref<10000xi32, #tpu.memory_space<vmem>> -> memref<40xi32, #tpu.memory_space<vmem>>
        %dma_start3A_303 = arith.constant 0 : i32
        %dma_start3A_304 = arith.constant 0 : i32
        %dma_start3A_305 = tpu.memref_slice %arg2[%dma_start3A_303, %dma_start3A_304] : memref<10000x128xf32, #tpu.memory_space<hbm>> -> memref<10000x128xf32, #tpu.memory_space<hbm>>
        tpu.enqueue_indirect_dma source(%dma_start3A_305 : memref<10000x128xf32, #tpu.memory_space<hbm>>) target(%arg10 : memref<40x128xf32, #tpu.memory_space<vmem>>) offsets(%dma_start3A_302 : memref<40xi32, #tpu.memory_space<vmem>>) semaphore(%arg20 : memref<!tpu.dma_semaphore, #tpu.memory_space<semaphore_mem>>)
        %mul3A_306 = arith.constant 40 : i32
        %mul3A_307 = arith.muli %add3A_299, %mul3A_306 : i32
        %add3A_308 = arith.constant 5000 : i32
        %add3A_309 = arith.addi %add3A_308, %mul3A_307 : i32
        %dma_start3A_310 = tpu.memref_slice %arg9[%add3A_309] : memref<10000xi32, #tpu.memory_space<vmem>> -> memref<40xi32, #tpu.memory_space<vmem>>
        %dma_start3A_311 = arith.constant 0 : i32
        %dma_start3A_312 = arith.constant 0 : i32
        %dma_start3A_313 = tpu.memref_slice %arg2[%dma_start3A_311, %dma_start3A_312] : memref<10000x128xf32, #tpu.memory_space<hbm>> -> memref<10000x128xf32, #tpu.memory_space<hbm>>
        tpu.enqueue_indirect_dma source(%dma_start3A_313 : memref<10000x128xf32, #tpu.memory_space<hbm>>) target(%arg12 : memref<40x128xf32, #tpu.memory_space<vmem>>) offsets(%dma_start3A_310 : memref<40xi32, #tpu.memory_space<vmem>>) semaphore(%arg22 : memref<!tpu.dma_semaphore, #tpu.memory_space<semaphore_mem>>)
        %mul3A_314 = arith.constant 40 : i32
        %mul3A_315 = arith.muli %add3A_299, %mul3A_314 : i32
        %add3A_316 = arith.addi %mul3A_2, %mul3A_315 : i32
        %multiple_of3A_317 = tpu.assume_multiple %add3A_316, 8 : i32
        %dma_start3A_318 = arith.constant 0 : i32
        %dma_start3A_319 = tpu.memref_slice %arg3[%multiple_of3A_317, %dma_start3A_318] : memref<160000x128xi32, #tpu.memory_space<hbm>> -> memref<40x128xi32, #tpu.memory_space<hbm>>
        %dma_start3A_320 = arith.constant 0 : i32
        %dma_start3A_321 = tpu.memref_slice %arg3[%multiple_of3A_317, %dma_start3A_320] : memref<160000x128xi32, #tpu.memory_space<hbm>> -> memref<40x128xi32, #tpu.memory_space<hbm>>
        tpu.enqueue_dma source(%dma_start3A_321 : memref<40x128xi32, #tpu.memory_space<hbm>>) target(%arg14 : memref<40x128xi32, #tpu.memory_space<vmem>>) target_semaphore(%arg24 : memref<!tpu.dma_semaphore, #tpu.memory_space<semaphore_mem>>)
        %mul3A_322 = arith.constant 40 : i32
        %mul3A_323 = arith.muli %add3A_299, %mul3A_322 : i32
        %add3A_324 = arith.addi %mul3A_2, %mul3A_323 : i32
        %multiple_of3A_325 = tpu.assume_multiple %add3A_324, 8 : i32
        %dma_start3A_326 = tpu.memref_slice %arg4[%multiple_of3A_325] : memref<320000xi32, #tpu.memory_space<hbm>> -> memref<40xi32, #tpu.memory_space<hbm>>
        %dma_start3A_327 = tpu.memref_slice %arg4[%multiple_of3A_325] : memref<320000xi32, #tpu.memory_space<hbm>> -> memref<40xi32, #tpu.memory_space<hbm>>
        tpu.enqueue_dma source(%dma_start3A_327 : memref<40xi32, #tpu.memory_space<hbm>>) target(%arg16 : memref<40xi32, #tpu.memory_space<vmem>>) target_semaphore(%arg30 : memref<!tpu.dma_semaphore, #tpu.memory_space<semaphore_mem>>)
        %add3A_328 = arith.constant 160000 : i32
        %add3A_329 = arith.addi %add3A_328, %multiple_of3A_325 : i32
        %dma_start3A_330 = tpu.memref_slice %arg4[%add3A_329] : memref<320000xi32, #tpu.memory_space<hbm>> -> memref<40xi32, #tpu.memory_space<hbm>>
        %dma_start3A_331 = tpu.memref_slice %arg4[%add3A_329] : memref<320000xi32, #tpu.memory_space<hbm>> -> memref<40xi32, #tpu.memory_space<hbm>>
        tpu.enqueue_dma source(%dma_start3A_331 : memref<40xi32, #tpu.memory_space<hbm>>) target(%arg18 : memref<40xi32, #tpu.memory_space<vmem>>) target_semaphore(%arg30 : memref<!tpu.dma_semaphore, #tpu.memory_space<semaphore_mem>>)
      } else {
      }
      %scan3A_282 = arith.constant 0 : i32
      %scan3A_283 = arith.constant 0 : i32
      %scan3A_284 = arith.constant 40 : i32
      %scan3A_285 = arith.addi %scan3A_283, %scan3A_284 : i32
      %scan3A_286 = arith.constant 1 : i32
      scf.for %scan3A_294 = %scan3A_283 to %scan3A_285 step %scan3A_286  : i32 {
        %get3A = arith.index_cast %scan3A_294 : i32 to index
        %get3A_295 = arith.constant 0 : index
        %get3A_296 = tpu.vector_load %arg15[%get3A, %get3A_295] {strides = array<i32>} : memref<40x128xi32, #tpu.memory_space<vmem>>, vector<1x16xi32>,
        %get3A_297 = vector.shape_cast %get3A_296 : vector<1x16xi32> to vector<16xi32>
        %mul3A_298 = arith.constant 65536 : i32
        %mul3A_299 = vector.broadcast %mul3A_298 : i32 to vector<16xi32>
        %mul3A_300 = arith.muli %get3A_297, %mul3A_299 : vector<16xi32>
        %bitcast_convert_type3A = tpu.bitcast %mul3A_300 : vector<16xi32> -> vector<16xf32>
        %and3A = arith.constant -65536 : i32
        %and3A_301 = vector.broadcast %and3A : i32 to vector<16xi32>
        %and3A_302 = arith.andi %get3A_297, %and3A_301 : vector<16xi32>
        %bitcast_convert_type3A_303 = tpu.bitcast %and3A_302 : vector<16xi32> -> vector<16xf32>
        %get3A_304 = arith.index_cast %scan3A_294 : i32 to index
        %get3A_305 = arith.constant 0 : index
        %get3A_306 = tpu.vector_load %arg11[%get3A_304, %get3A_305] {strides = array<i32>} : memref<40x128xf32, #tpu.memory_space<vmem>>, vector<1x16xf32>,
        %get3A_307 = vector.shape_cast %get3A_306 : vector<1x16xf32> to vector<16xf32>
        %mul3A_308 = arith.mulf %get3A_307, %bitcast_convert_type3A : vector<16xf32>
        %swap3A = arith.index_cast %scan3A_294 : i32 to index
        %swap3A_309 = arith.constant 0 : index
        %swap3A_310 = tpu.vector_load %arg11[%swap3A, %swap3A_309] {strides = array<i32>} : memref<40x128xf32, #tpu.memory_space<vmem>>, vector<1x16xf32>,
        %swap3A_311 = vector.shape_cast %swap3A_310 : vector<1x16xf32> to vector<16xf32>
        %swap3A_312 = vector.shape_cast %mul3A_308 : vector<16xf32> to vector<1x16xf32>
        tpu.vector_store %arg11[%swap3A, %swap3A_309], %swap3A_312 {strides = array<i32>} : memref<40x128xf32, #tpu.memory_space<vmem>>, vector<1x16xf32>,
        %get3A_313 = arith.index_cast %scan3A_294 : i32 to index
        %get3A_314 = arith.constant 0 : index
        %get3A_315 = tpu.vector_load %arg13[%get3A_313, %get3A_314] {strides = array<i32>} : memref<40x128xf32, #tpu.memory_space<vmem>>, vector<1x16xf32>,
        %get3A_316 = vector.shape_cast %get3A_315 : vector<1x16xf32> to vector<16xf32>
        %mul3A_317 = arith.mulf %get3A_316, %bitcast_convert_type3A_303 : vector<16xf32>
        %swap3A_318 = arith.index_cast %scan3A_294 : i32 to index
        %swap3A_319 = arith.constant 0 : index
        %swap3A_320 = tpu.vector_load %arg13[%swap3A_318, %swap3A_319] {strides = array<i32>} : memref<40x128xf32, #tpu.memory_space<vmem>>, vector<1x16xf32>,
        %swap3A_321 = vector.shape_cast %swap3A_320 : vector<1x16xf32> to vector<16xf32>
        %swap3A_322 = vector.shape_cast %mul3A_317 : vector<16xf32> to vector<1x16xf32>
        tpu.vector_store %arg13[%swap3A_318, %swap3A_319], %swap3A_322 {strides = array<i32>} : memref<40x128xf32, #tpu.memory_space<vmem>>, vector<1x16xf32>,
        %get3A_323 = arith.index_cast %scan3A_294 : i32 to index
        %get3A_324 = arith.constant 16 : index
        %get3A_325 = tpu.vector_load %arg15[%get3A_323, %get3A_324] {strides = array<i32>} : memref<40x128xi32, #tpu.memory_space<vmem>>, vector<1x16xi32>,
        %get3A_326 = vector.shape_cast %get3A_325 : vector<1x16xi32> to vector<16xi32>
        %mul3A_327 = arith.constant 65536 : i32
        %mul3A_328 = vector.broadcast %mul3A_327 : i32 to vector<16xi32>
        %mul3A_329 = arith.muli %get3A_326, %mul3A_328 : vector<16xi32>
        %bitcast_convert_type3A_330 = tpu.bitcast %mul3A_329 : vector<16xi32> -> vector<16xf32>
        %and3A_331 = arith.constant -65536 : i32
        %and3A_332 = vector.broadcast %and3A_331 : i32 to vector<16xi32>
        %and3A_333 = arith.andi %get3A_326, %and3A_332 : vector<16xi32>
        %bitcast_convert_type3A_334 = tpu.bitcast %and3A_333 : vector<16xi32> -> vector<16xf32>
        %get3A_335 = arith.index_cast %scan3A_294 : i32 to index
        %get3A_336 = arith.constant 16 : index
        %get3A_337 = tpu.vector_load %arg11[%get3A_335, %get3A_336] {strides = array<i32>} : memref<40x128xf32, #tpu.memory_space<vmem>>, vector<1x16xf32>,
        %get3A_338 = vector.shape_cast %get3A_337 : vector<1x16xf32> to vector<16xf32>
        %mul3A_339 = arith.mulf %get3A_338, %bitcast_convert_type3A_330 : vector<16xf32>
        %swap3A_340 = arith.index_cast %scan3A_294 : i32 to index
        %swap3A_341 = arith.constant 16 : index
        %swap3A_342 = tpu.vector_load %arg11[%swap3A_340, %swap3A_341] {strides = array<i32>} : memref<40x128xf32, #tpu.memory_space<vmem>>, vector<1x16xf32>,
        %swap3A_343 = vector.shape_cast %swap3A_342 : vector<1x16xf32> to vector<16xf32>
        %swap3A_344 = vector.shape_cast %mul3A_339 : vector<16xf32> to vector<1x16xf32>
        tpu.vector_store %arg11[%swap3A_340, %swap3A_341], %swap3A_344 {strides = array<i32>} : memref<40x128xf32, #tpu.memory_space<vmem>>, vector<1x16xf32>,
        %get3A_345 = arith.index_cast %scan3A_294 : i32 to index
        %get3A_346 = arith.constant 16 : index
        %get3A_347 = tpu.vector_load %arg13[%get3A_345, %get3A_346] {strides = array<i32>} : memref<40x128xf32, #tpu.memory_space<vmem>>, vector<1x16xf32>,
        %get3A_348 = vector.shape_cast %get3A_347 : vector<1x16xf32> to vector<16xf32>
        %mul3A_349 = arith.mulf %get3A_348, %bitcast_convert_type3A_334 : vector<16xf32>
        %swap3A_350 = arith.index_cast %scan3A_294 : i32 to index
        %swap3A_351 = arith.constant 16 : index
        %swap3A_352 = tpu.vector_load %arg13[%swap3A_350, %swap3A_351] {strides = array<i32>} : memref<40x128xf32, #tpu.memory_space<vmem>>, vector<1x16xf32>,
        %swap3A_353 = vector.shape_cast %swap3A_352 : vector<1x16xf32> to vector<16xf32>
        %swap3A_354 = vector.shape_cast %mul3A_349 : vector<16xf32> to vector<1x16xf32>
        tpu.vector_store %arg13[%swap3A_350, %swap3A_351], %swap3A_354 {strides = array<i32>} : memref<40x128xf32, #tpu.memory_space<vmem>>, vector<1x16xf32>,
        %get3A_355 = arith.index_cast %scan3A_294 : i32 to index
        %get3A_356 = arith.constant 32 : index
        %get3A_357 = tpu.vector_load %arg15[%get3A_355, %get3A_356] {strides = array<i32>} : memref<40x128xi32, #tpu.memory_space<vmem>>, vector<1x16xi32>,
        %get3A_358 = vector.shape_cast %get3A_357 : vector<1x16xi32> to vector<16xi32>
        %mul3A_359 = arith.constant 65536 : i32
        %mul3A_360 = vector.broadcast %mul3A_359 : i32 to vector<16xi32>
        %mul3A_361 = arith.muli %get3A_358, %mul3A_360 : vector<16xi32>
        %bitcast_convert_type3A_362 = tpu.bitcast %mul3A_361 : vector<16xi32> -> vector<16xf32>
        %and3A_363 = arith.constant -65536 : i32
        %and3A_364 = vector.broadcast %and3A_363 : i32 to vector<16xi32>
        %and3A_365 = arith.andi %get3A_358, %and3A_364 : vector<16xi32>
        %bitcast_convert_type3A_366 = tpu.bitcast %and3A_365 : vector<16xi32> -> vector<16xf32>
        %get3A_367 = arith.index_cast %scan3A_294 : i32 to index
        %get3A_368 = arith.constant 32 : index
        %get3A_369 = tpu.vector_load %arg11[%get3A_367, %get3A_368] {strides = array<i32>} : memref<40x128xf32, #tpu.memory_space<vmem>>, vector<1x16xf32>,
        %get3A_370 = vector.shape_cast %get3A_369 : vector<1x16xf32> to vector<16xf32>
        %mul3A_371 = arith.mulf %get3A_370, %bitcast_convert_type3A_362 : vector<16xf32>
        %swap3A_372 = arith.index_cast %scan3A_294 : i32 to index
        %swap3A_373 = arith.constant 32 : index
        %swap3A_374 = tpu.vector_load %arg11[%swap3A_372, %swap3A_373] {strides = array<i32>} : memref<40x128xf32, #tpu.memory_space<vmem>>, vector<1x16xf32>,
        %swap3A_375 = vector.shape_cast %swap3A_374 : vector<1x16xf32> to vector<16xf32>
        %swap3A_376 = vector.shape_cast %mul3A_371 : vector<16xf32> to vector<1x16xf32>
        tpu.vector_store %arg11[%swap3A_372, %swap3A_373], %swap3A_376 {strides = array<i32>} : memref<40x128xf32, #tpu.memory_space<vmem>>, vector<1x16xf32>,
        %get3A_377 = arith.index_cast %scan3A_294 : i32 to index
        %get3A_378 = arith.constant 32 : index
        %get3A_379 = tpu.vector_load %arg13[%get3A_377, %get3A_378] {strides = array<i32>} : memref<40x128xf32, #tpu.memory_space<vmem>>, vector<1x16xf32>,
        %get3A_380 = vector.shape_cast %get3A_379 : vector<1x16xf32> to vector<16xf32>
        %mul3A_381 = arith.mulf %get3A_380, %bitcast_convert_type3A_366 : vector<16xf32>
        %swap3A_382 = arith.index_cast %scan3A_294 : i32 to index
        %swap3A_383 = arith.constant 32 : index
        %swap3A_384 = tpu.vector_load %arg13[%swap3A_382, %swap3A_383] {strides = array<i32>} : memref<40x128xf32, #tpu.memory_space<vmem>>, vector<1x16xf32>,
        %swap3A_385 = vector.shape_cast %swap3A_384 : vector<1x16xf32> to vector<16xf32>
        %swap3A_386 = vector.shape_cast %mul3A_381 : vector<16xf32> to vector<1x16xf32>
        tpu.vector_store %arg13[%swap3A_382, %swap3A_383], %swap3A_386 {strides = array<i32>} : memref<40x128xf32, #tpu.memory_space<vmem>>, vector<1x16xf32>,
        %get3A_387 = arith.index_cast %scan3A_294 : i32 to index
        %get3A_388 = arith.constant 48 : index
        %get3A_389 = tpu.vector_load %arg15[%get3A_387, %get3A_388] {strides = array<i32>} : memref<40x128xi32, #tpu.memory_space<vmem>>, vector<1x16xi32>,
        %get3A_390 = vector.shape_cast %get3A_389 : vector<1x16xi32> to vector<16xi32>
        %mul3A_391 = arith.constant 65536 : i32
        %mul3A_392 = vector.broadcast %mul3A_391 : i32 to vector<16xi32>
        %mul3A_393 = arith.muli %get3A_390, %mul3A_392 : vector<16xi32>
        %bitcast_convert_type3A_394 = tpu.bitcast %mul3A_393 : vector<16xi32> -> vector<16xf32>
        %and3A_395 = arith.constant -65536 : i32
        %and3A_396 = vector.broadcast %and3A_395 : i32 to vector<16xi32>
        %and3A_397 = arith.andi %get3A_390, %and3A_396 : vector<16xi32>
        %bitcast_convert_type3A_398 = tpu.bitcast %and3A_397 : vector<16xi32> -> vector<16xf32>
        %get3A_399 = arith.index_cast %scan3A_294 : i32 to index
        %get3A_400 = arith.constant 48 : index
        %get3A_401 = tpu.vector_load %arg11[%get3A_399, %get3A_400] {strides = array<i32>} : memref<40x128xf32, #tpu.memory_space<vmem>>, vector<1x16xf32>,
        %get3A_402 = vector.shape_cast %get3A_401 : vector<1x16xf32> to vector<16xf32>
        %mul3A_403 = arith.mulf %get3A_402, %bitcast_convert_type3A_394 : vector<16xf32>
        %swap3A_404 = arith.index_cast %scan3A_294 : i32 to index
        %swap3A_405 = arith.constant 48 : index
        %swap3A_406 = tpu.vector_load %arg11[%swap3A_404, %swap3A_405] {strides = array<i32>} : memref<40x128xf32, #tpu.memory_space<vmem>>, vector<1x16xf32>,
        %swap3A_407 = vector.shape_cast %swap3A_406 : vector<1x16xf32> to vector<16xf32>
        %swap3A_408 = vector.shape_cast %mul3A_403 : vector<16xf32> to vector<1x16xf32>
        tpu.vector_store %arg11[%swap3A_404, %swap3A_405], %swap3A_408 {strides = array<i32>} : memref<40x128xf32, #tpu.memory_space<vmem>>, vector<1x16xf32>,
        %get3A_409 = arith.index_cast %scan3A_294 : i32 to index
        %get3A_410 = arith.constant 48 : index
        %get3A_411 = tpu.vector_load %arg13[%get3A_409, %get3A_410] {strides = array<i32>} : memref<40x128xf32, #tpu.memory_space<vmem>>, vector<1x16xf32>,
        %get3A_412 = vector.shape_cast %get3A_411 : vector<1x16xf32> to vector<16xf32>
        %mul3A_413 = arith.mulf %get3A_412, %bitcast_convert_type3A_398 : vector<16xf32>
        %swap3A_414 = arith.index_cast %scan3A_294 : i32 to index
        %swap3A_415 = arith.constant 48 : index
        %swap3A_416 = tpu.vector_load %arg13[%swap3A_414, %swap3A_415] {strides = array<i32>} : memref<40x128xf32, #tpu.memory_space<vmem>>, vector<1x16xf32>,
        %swap3A_417 = vector.shape_cast %swap3A_416 : vector<1x16xf32> to vector<16xf32>
        %swap3A_418 = vector.shape_cast %mul3A_413 : vector<16xf32> to vector<1x16xf32>
        tpu.vector_store %arg13[%swap3A_414, %swap3A_415], %swap3A_418 {strides = array<i32>} : memref<40x128xf32, #tpu.memory_space<vmem>>, vector<1x16xf32>,
        %get3A_419 = arith.index_cast %scan3A_294 : i32 to index
        %get3A_420 = arith.constant 64 : index
        %get3A_421 = tpu.vector_load %arg15[%get3A_419, %get3A_420] {strides = array<i32>} : memref<40x128xi32, #tpu.memory_space<vmem>>, vector<1x16xi32>,
        %get3A_422 = vector.shape_cast %get3A_421 : vector<1x16xi32> to vector<16xi32>
        %mul3A_423 = arith.constant 65536 : i32
        %mul3A_424 = vector.broadcast %mul3A_423 : i32 to vector<16xi32>
        %mul3A_425 = arith.muli %get3A_422, %mul3A_424 : vector<16xi32>
        %bitcast_convert_type3A_426 = tpu.bitcast %mul3A_425 : vector<16xi32> -> vector<16xf32>
        %and3A_427 = arith.constant -65536 : i32
        %and3A_428 = vector.broadcast %and3A_427 : i32 to vector<16xi32>
        %and3A_429 = arith.andi %get3A_422, %and3A_428 : vector<16xi32>
        %bitcast_convert_type3A_430 = tpu.bitcast %and3A_429 : vector<16xi32> -> vector<16xf32>
        %get3A_431 = arith.index_cast %scan3A_294 : i32 to index
        %get3A_432 = arith.constant 64 : index
        %get3A_433 = tpu.vector_load %arg11[%get3A_431, %get3A_432] {strides = array<i32>} : memref<40x128xf32, #tpu.memory_space<vmem>>, vector<1x16xf32>,
        %get3A_434 = vector.shape_cast %get3A_433 : vector<1x16xf32> to vector<16xf32>
        %mul3A_435 = arith.mulf %get3A_434, %bitcast_convert_type3A_426 : vector<16xf32>
        %swap3A_436 = arith.index_cast %scan3A_294 : i32 to index
        %swap3A_437 = arith.constant 64 : index
        %swap3A_438 = tpu.vector_load %arg11[%swap3A_436, %swap3A_437] {strides = array<i32>} : memref<40x128xf32, #tpu.memory_space<vmem>>, vector<1x16xf32>,
        %swap3A_439 = vector.shape_cast %swap3A_438 : vector<1x16xf32> to vector<16xf32>
        %swap3A_440 = vector.shape_cast %mul3A_435 : vector<16xf32> to vector<1x16xf32>
        tpu.vector_store %arg11[%swap3A_436, %swap3A_437], %swap3A_440 {strides = array<i32>} : memref<40x128xf32, #tpu.memory_space<vmem>>, vector<1x16xf32>,
        %get3A_441 = arith.index_cast %scan3A_294 : i32 to index
        %get3A_442 = arith.constant 64 : index
        %get3A_443 = tpu.vector_load %arg13[%get3A_441, %get3A_442] {strides = array<i32>} : memref<40x128xf32, #tpu.memory_space<vmem>>, vector<1x16xf32>,
        %get3A_444 = vector.shape_cast %get3A_443 : vector<1x16xf32> to vector<16xf32>
        %mul3A_445 = arith.mulf %get3A_444, %bitcast_convert_type3A_430 : vector<16xf32>
        %swap3A_446 = arith.index_cast %scan3A_294 : i32 to index
        %swap3A_447 = arith.constant 64 : index
        %swap3A_448 = tpu.vector_load %arg13[%swap3A_446, %swap3A_447] {strides = array<i32>} : memref<40x128xf32, #tpu.memory_space<vmem>>, vector<1x16xf32>,
        %swap3A_449 = vector.shape_cast %swap3A_448 : vector<1x16xf32> to vector<16xf32>
        %swap3A_450 = vector.shape_cast %mul3A_445 : vector<16xf32> to vector<1x16xf32>
        tpu.vector_store %arg13[%swap3A_446, %swap3A_447], %swap3A_450 {strides = array<i32>} : memref<40x128xf32, #tpu.memory_space<vmem>>, vector<1x16xf32>,
        %get3A_451 = arith.index_cast %scan3A_294 : i32 to index
        %get3A_452 = arith.constant 80 : index
        %get3A_453 = tpu.vector_load %arg15[%get3A_451, %get3A_452] {strides = array<i32>} : memref<40x128xi32, #tpu.memory_space<vmem>>, vector<1x16xi32>,
        %get3A_454 = vector.shape_cast %get3A_453 : vector<1x16xi32> to vector<16xi32>
        %mul3A_455 = arith.constant 65536 : i32
        %mul3A_456 = vector.broadcast %mul3A_455 : i32 to vector<16xi32>
        %mul3A_457 = arith.muli %get3A_454, %mul3A_456 : vector<16xi32>
        %bitcast_convert_type3A_458 = tpu.bitcast %mul3A_457 : vector<16xi32> -> vector<16xf32>
        %and3A_459 = arith.constant -65536 : i32
        %and3A_460 = vector.broadcast %and3A_459 : i32 to vector<16xi32>
        %and3A_461 = arith.andi %get3A_454, %and3A_460 : vector<16xi32>
        %bitcast_convert_type3A_462 = tpu.bitcast %and3A_461 : vector<16xi32> -> vector<16xf32>
        %get3A_463 = arith.index_cast %scan3A_294 : i32 to index
        %get3A_464 = arith.constant 80 : index
        %get3A_465 = tpu.vector_load %arg11[%get3A_463, %get3A_464] {strides = array<i32>} : memref<40x128xf32, #tpu.memory_space<vmem>>, vector<1x16xf32>,
        %get3A_466 = vector.shape_cast %get3A_465 : vector<1x16xf32> to vector<16xf32>
        %mul3A_467 = arith.mulf %get3A_466, %bitcast_convert_type3A_458 : vector<16xf32>
        %swap3A_468 = arith.index_cast %scan3A_294 : i32 to index
        %swap3A_469 = arith.constant 80 : index
        %swap3A_470 = tpu.vector_load %arg11[%swap3A_468, %swap3A_469] {strides = array<i32>} : memref<40x128xf32, #tpu.memory_space<vmem>>, vector<1x16xf32>,
        %swap3A_471 = vector.shape_cast %swap3A_470 : vector<1x16xf32> to vector<16xf32>
        %swap3A_472 = vector.shape_cast %mul3A_467 : vector<16xf32> to vector<1x16xf32>
        tpu.vector_store %arg11[%swap3A_468, %swap3A_469], %swap3A_472 {strides = array<i32>} : memref<40x128xf32, #tpu.memory_space<vmem>>, vector<1x16xf32>,
        %get3A_473 = arith.index_cast %scan3A_294 : i32 to index
        %get3A_474 = arith.constant 80 : index
        %get3A_475 = tpu.vector_load %arg13[%get3A_473, %get3A_474] {strides = array<i32>} : memref<40x128xf32, #tpu.memory_space<vmem>>, vector<1x16xf32>,
        %get3A_476 = vector.shape_cast %get3A_475 : vector<1x16xf32> to vector<16xf32>
        %mul3A_477 = arith.mulf %get3A_476, %bitcast_convert_type3A_462 : vector<16xf32>
        %swap3A_478 = arith.index_cast %scan3A_294 : i32 to index
        %swap3A_479 = arith.constant 80 : index
        %swap3A_480 = tpu.vector_load %arg13[%swap3A_478, %swap3A_479] {strides = array<i32>} : memref<40x128xf32, #tpu.memory_space<vmem>>, vector<1x16xf32>,
        %swap3A_481 = vector.shape_cast %swap3A_480 : vector<1x16xf32> to vector<16xf32>
        %swap3A_482 = vector.shape_cast %mul3A_477 : vector<16xf32> to vector<1x16xf32>
        tpu.vector_store %arg13[%swap3A_478, %swap3A_479], %swap3A_482 {strides = array<i32>} : memref<40x128xf32, #tpu.memory_space<vmem>>, vector<1x16xf32>,
        %get3A_483 = arith.index_cast %scan3A_294 : i32 to index
        %get3A_484 = arith.constant 96 : index
        %get3A_485 = tpu.vector_load %arg15[%get3A_483, %get3A_484] {strides = array<i32>} : memref<40x128xi32, #tpu.memory_space<vmem>>, vector<1x16xi32>,
        %get3A_486 = vector.shape_cast %get3A_485 : vector<1x16xi32> to vector<16xi32>
        %mul3A_487 = arith.constant 65536 : i32
        %mul3A_488 = vector.broadcast %mul3A_487 : i32 to vector<16xi32>
        %mul3A_489 = arith.muli %get3A_486, %mul3A_488 : vector<16xi32>
        %bitcast_convert_type3A_490 = tpu.bitcast %mul3A_489 : vector<16xi32> -> vector<16xf32>
        %and3A_491 = arith.constant -65536 : i32
        %and3A_492 = vector.broadcast %and3A_491 : i32 to vector<16xi32>
        %and3A_493 = arith.andi %get3A_486, %and3A_492 : vector<16xi32>
        %bitcast_convert_type3A_494 = tpu.bitcast %and3A_493 : vector<16xi32> -> vector<16xf32>
        %get3A_495 = arith.index_cast %scan3A_294 : i32 to index
        %get3A_496 = arith.constant 96 : index
        %get3A_497 = tpu.vector_load %arg11[%get3A_495, %get3A_496] {strides = array<i32>} : memref<40x128xf32, #tpu.memory_space<vmem>>, vector<1x16xf32>,
        %get3A_498 = vector.shape_cast %get3A_497 : vector<1x16xf32> to vector<16xf32>
        %mul3A_499 = arith.mulf %get3A_498, %bitcast_convert_type3A_490 : vector<16xf32>
        %swap3A_500 = arith.index_cast %scan3A_294 : i32 to index
        %swap3A_501 = arith.constant 96 : index
        %swap3A_502 = tpu.vector_load %arg11[%swap3A_500, %swap3A_501] {strides = array<i32>} : memref<40x128xf32, #tpu.memory_space<vmem>>, vector<1x16xf32>,
        %swap3A_503 = vector.shape_cast %swap3A_502 : vector<1x16xf32> to vector<16xf32>
        %swap3A_504 = vector.shape_cast %mul3A_499 : vector<16xf32> to vector<1x16xf32>
        tpu.vector_store %arg11[%swap3A_500, %swap3A_501], %swap3A_504 {strides = array<i32>} : memref<40x128xf32, #tpu.memory_space<vmem>>, vector<1x16xf32>,
        %get3A_505 = arith.index_cast %scan3A_294 : i32 to index
        %get3A_506 = arith.constant 96 : index
        %get3A_507 = tpu.vector_load %arg13[%get3A_505, %get3A_506] {strides = array<i32>} : memref<40x128xf32, #tpu.memory_space<vmem>>, vector<1x16xf32>,
        %get3A_508 = vector.shape_cast %get3A_507 : vector<1x16xf32> to vector<16xf32>
        %mul3A_509 = arith.mulf %get3A_508, %bitcast_convert_type3A_494 : vector<16xf32>
        %swap3A_510 = arith.index_cast %scan3A_294 : i32 to index
        %swap3A_511 = arith.constant 96 : index
        %swap3A_512 = tpu.vector_load %arg13[%swap3A_510, %swap3A_511] {strides = array<i32>} : memref<40x128xf32, #tpu.memory_space<vmem>>, vector<1x16xf32>,
        %swap3A_513 = vector.shape_cast %swap3A_512 : vector<1x16xf32> to vector<16xf32>
        %swap3A_514 = vector.shape_cast %mul3A_509 : vector<16xf32> to vector<1x16xf32>
        tpu.vector_store %arg13[%swap3A_510, %swap3A_511], %swap3A_514 {strides = array<i32>} : memref<40x128xf32, #tpu.memory_space<vmem>>, vector<1x16xf32>,
        %get3A_515 = arith.index_cast %scan3A_294 : i32 to index
        %get3A_516 = arith.constant 112 : index
        %get3A_517 = tpu.vector_load %arg15[%get3A_515, %get3A_516] {strides = array<i32>} : memref<40x128xi32, #tpu.memory_space<vmem>>, vector<1x16xi32>,
        %get3A_518 = vector.shape_cast %get3A_517 : vector<1x16xi32> to vector<16xi32>
        %mul3A_519 = arith.constant 65536 : i32
        %mul3A_520 = vector.broadcast %mul3A_519 : i32 to vector<16xi32>
        %mul3A_521 = arith.muli %get3A_518, %mul3A_520 : vector<16xi32>
        %bitcast_convert_type3A_522 = tpu.bitcast %mul3A_521 : vector<16xi32> -> vector<16xf32>
        %and3A_523 = arith.constant -65536 : i32
        %and3A_524 = vector.broadcast %and3A_523 : i32 to vector<16xi32>
        %and3A_525 = arith.andi %get3A_518, %and3A_524 : vector<16xi32>
        %bitcast_convert_type3A_526 = tpu.bitcast %and3A_525 : vector<16xi32> -> vector<16xf32>
        %get3A_527 = arith.index_cast %scan3A_294 : i32 to index
        %get3A_528 = arith.constant 112 : index
        %get3A_529 = tpu.vector_load %arg11[%get3A_527, %get3A_528] {strides = array<i32>} : memref<40x128xf32, #tpu.memory_space<vmem>>, vector<1x16xf32>,
        %get3A_530 = vector.shape_cast %get3A_529 : vector<1x16xf32> to vector<16xf32>
        %mul3A_531 = arith.mulf %get3A_530, %bitcast_convert_type3A_522 : vector<16xf32>
        %swap3A_532 = arith.index_cast %scan3A_294 : i32 to index
        %swap3A_533 = arith.constant 112 : index
        %swap3A_534 = tpu.vector_load %arg11[%swap3A_532, %swap3A_533] {strides = array<i32>} : memref<40x128xf32, #tpu.memory_space<vmem>>, vector<1x16xf32>,
        %swap3A_535 = vector.shape_cast %swap3A_534 : vector<1x16xf32> to vector<16xf32>
        %swap3A_536 = vector.shape_cast %mul3A_531 : vector<16xf32> to vector<1x16xf32>
        tpu.vector_store %arg11[%swap3A_532, %swap3A_533], %swap3A_536 {strides = array<i32>} : memref<40x128xf32, #tpu.memory_space<vmem>>, vector<1x16xf32>,
        %get3A_537 = arith.index_cast %scan3A_294 : i32 to index
        %get3A_538 = arith.constant 112 : index
        %get3A_539 = tpu.vector_load %arg13[%get3A_537, %get3A_538] {strides = array<i32>} : memref<40x128xf32, #tpu.memory_space<vmem>>, vector<1x16xf32>,
        %get3A_540 = vector.shape_cast %get3A_539 : vector<1x16xf32> to vector<16xf32>
        %mul3A_541 = arith.mulf %get3A_540, %bitcast_convert_type3A_526 : vector<16xf32>
        %swap3A_542 = arith.index_cast %scan3A_294 : i32 to index
        %swap3A_543 = arith.constant 112 : index
        %swap3A_544 = tpu.vector_load %arg13[%swap3A_542, %swap3A_543] {strides = array<i32>} : memref<40x128xf32, #tpu.memory_space<vmem>>, vector<1x16xf32>,
        %swap3A_545 = vector.shape_cast %swap3A_544 : vector<1x16xf32> to vector<16xf32>
        %swap3A_546 = vector.shape_cast %mul3A_541 : vector<16xf32> to vector<1x16xf32>
        tpu.vector_store %arg13[%swap3A_542, %swap3A_543], %swap3A_546 {strides = array<i32>} : memref<40x128xf32, #tpu.memory_space<vmem>>, vector<1x16xf32>,
      }
      %scan3A_287 = arith.constant 40 : i32
      %dma_start3A_288 = arith.constant 0 : i32
      %dma_start3A_289 = arith.constant 0 : i32
      %dma_start3A_290 = tpu.memref_slice %arg8[%dma_start3A_288, %dma_start3A_289] : memref<10000x128xf32, #tpu.memory_space<vmem_shared>> -> memref<10000x128xf32, #tpu.memory_space<vmem_shared>>
      tpu.enqueue_indirect_dma source(%arg11 : memref<40x128xf32, #tpu.memory_space<vmem>>) target(%dma_start3A_290 : memref<10000x128xf32, #tpu.memory_space<vmem_shared>>) offsets(%arg17 : memref<40xi32, #tpu.memory_space<vmem>>) semaphore(%arg27 : memref<!tpu.dma_semaphore, #tpu.memory_space<semaphore_mem>>) {add = true}
      %dma_start3A_291 = arith.constant 0 : i32
      %dma_start3A_292 = arith.constant 0 : i32
      %dma_start3A_293 = tpu.memref_slice %arg8[%dma_start3A_291, %dma_start3A_292] : memref<10000x128xf32, #tpu.memory_space<vmem_shared>> -> memref<10000x128xf32, #tpu.memory_space<vmem_shared>>
      tpu.enqueue_indirect_dma source(%arg13 : memref<40x128xf32, #tpu.memory_space<vmem>>) target(%dma_start3A_293 : memref<10000x128xf32, #tpu.memory_space<vmem_shared>>) offsets(%arg19 : memref<40xi32, #tpu.memory_space<vmem>>) semaphore(%arg29 : memref<!tpu.dma_semaphore, #tpu.memory_space<semaphore_mem>>) {add = true}
    }
    %scan3A_111 = arith.constant 62 : i32
    %dma_wait3A_112 = arith.constant 4960 : i32
    %dma_wait3A_113 = tpu.memref_slice %arg9[%dma_wait3A_112] : memref<10000xi32, #tpu.memory_space<vmem>> -> memref<40xi32, #tpu.memory_space<vmem>>
    %dma_wait3A_114 = arith.constant 0 : i32
    %dma_wait3A_115 = arith.constant 0 : i32
    %dma_wait3A_116 = tpu.memref_slice %arg2[%dma_wait3A_114, %dma_wait3A_115] : memref<10000x128xf32, #tpu.memory_space<hbm>> -> memref<10000x128xf32, #tpu.memory_space<hbm>>
    tpu.wait_indirect_dma semaphore(%arg20 : memref<!tpu.dma_semaphore, #tpu.memory_space<semaphore_mem>>) src(%dma_wait3A_116 : memref<10000x128xf32, #tpu.memory_space<hbm>>) dst(%arg10 : memref<40x128xf32, #tpu.memory_space<vmem>>)
    %dma_wait3A_117 = arith.constant 9960 : i32
    %dma_wait3A_118 = tpu.memref_slice %arg9[%dma_wait3A_117] : memref<10000xi32, #tpu.memory_space<vmem>> -> memref<40xi32, #tpu.memory_space<vmem>>
    %dma_wait3A_119 = arith.constant 0 : i32
    %dma_wait3A_120 = arith.constant 0 : i32
    %dma_wait3A_121 = tpu.memref_slice %arg2[%dma_wait3A_119, %dma_wait3A_120] : memref<10000x128xf32, #tpu.memory_space<hbm>> -> memref<10000x128xf32, #tpu.memory_space<hbm>>
    tpu.wait_indirect_dma semaphore(%arg22 : memref<!tpu.dma_semaphore, #tpu.memory_space<semaphore_mem>>) src(%dma_wait3A_121 : memref<10000x128xf32, #tpu.memory_space<hbm>>) dst(%arg12 : memref<40x128xf32, #tpu.memory_space<vmem>>)
    %add3A_122 = arith.constant 4960 : i32
    %add3A_123 = arith.addi %mul3A_2, %add3A_122 : i32
    %multiple_of3A_124 = tpu.assume_multiple %add3A_123, 8 : i32
    %dma_wait3A_125 = arith.constant 0 : i32
    %dma_wait3A_126 = tpu.memref_slice %arg3[%multiple_of3A_124, %dma_wait3A_125] : memref<160000x128xi32, #tpu.memory_space<hbm>> -> memref<40x128xi32, #tpu.memory_space<hbm>>
    %dma_wait3A_127 = arith.constant 0 : i32
    %dma_wait3A_128 = tpu.memref_slice %arg3[%multiple_of3A_124, %dma_wait3A_127] : memref<160000x128xi32, #tpu.memory_space<hbm>> -> memref<40x128xi32, #tpu.memory_space<hbm>>
    tpu.wait_dma2 semaphore(%arg24 : memref<!tpu.dma_semaphore, #tpu.memory_space<semaphore_mem>>) src(%dma_wait3A_128 : memref<40x128xi32, #tpu.memory_space<hbm>>) dst(%arg14 : memref<40x128xi32, #tpu.memory_space<vmem>>)
    %add3A_129 = arith.constant 4960 : i32
    %add3A_130 = arith.addi %mul3A_2, %add3A_129 : i32
    %multiple_of3A_131 = tpu.assume_multiple %add3A_130, 8 : i32
    %dma_wait3A_132 = tpu.memref_slice %arg4[%multiple_of3A_131] : memref<320000xi32, #tpu.memory_space<hbm>> -> memref<40xi32, #tpu.memory_space<hbm>>
    %dma_wait3A_133 = tpu.memref_slice %arg4[%multiple_of3A_131] : memref<320000xi32, #tpu.memory_space<hbm>> -> memref<40xi32, #tpu.memory_space<hbm>>
    tpu.wait_dma2 semaphore(%arg30 : memref<!tpu.dma_semaphore, #tpu.memory_space<semaphore_mem>>) src(%dma_wait3A_133 : memref<40xi32, #tpu.memory_space<hbm>>) dst(%arg16 : memref<40xi32, #tpu.memory_space<vmem>>)
    %add3A_134 = arith.constant 160000 : i32
    %add3A_135 = arith.addi %add3A_134, %multiple_of3A_131 : i32
    %dma_wait3A_136 = tpu.memref_slice %arg4[%add3A_135] : memref<320000xi32, #tpu.memory_space<hbm>> -> memref<40xi32, #tpu.memory_space<hbm>>
    %dma_wait3A_137 = tpu.memref_slice %arg4[%add3A_135] : memref<320000xi32, #tpu.memory_space<hbm>> -> memref<40xi32, #tpu.memory_space<hbm>>
    tpu.wait_dma2 semaphore(%arg30 : memref<!tpu.dma_semaphore, #tpu.memory_space<semaphore_mem>>) src(%dma_wait3A_137 : memref<40xi32, #tpu.memory_space<hbm>>) dst(%arg18 : memref<40xi32, #tpu.memory_space<vmem>>)
    %scan3A_138 = arith.constant 0 : i32
    %scan3A_139 = arith.constant 0 : i32
    %scan3A_140 = arith.constant 40 : i32
    %scan3A_141 = arith.addi %scan3A_139, %scan3A_140 : i32
    %scan3A_142 = arith.constant 1 : i32
    scf.for %scan3A_185 = %scan3A_139 to %scan3A_141 step %scan3A_142  : i32 {
      %get3A = arith.index_cast %scan3A_185 : i32 to index
      %get3A_186 = arith.constant 0 : index
      %get3A_187 = tpu.vector_load %arg14[%get3A, %get3A_186] {strides = array<i32>} : memref<40x128xi32, #tpu.memory_space<vmem>>, vector<1x16xi32>,
      %get3A_188 = vector.shape_cast %get3A_187 : vector<1x16xi32> to vector<16xi32>
      %mul3A_189 = arith.constant 65536 : i32
      %mul3A_190 = vector.broadcast %mul3A_189 : i32 to vector<16xi32>
      %mul3A_191 = arith.muli %get3A_188, %mul3A_190 : vector<16xi32>
      %bitcast_convert_type3A = tpu.bitcast %mul3A_191 : vector<16xi32> -> vector<16xf32>
      %and3A = arith.constant -65536 : i32
      %and3A_192 = vector.broadcast %and3A : i32 to vector<16xi32>
      %and3A_193 = arith.andi %get3A_188, %and3A_192 : vector<16xi32>
      %bitcast_convert_type3A_194 = tpu.bitcast %and3A_193 : vector<16xi32> -> vector<16xf32>
      %get3A_195 = arith.index_cast %scan3A_185 : i32 to index
      %get3A_196 = arith.constant 0 : index
      %get3A_197 = tpu.vector_load %arg10[%get3A_195, %get3A_196] {strides = array<i32>} : memref<40x128xf32, #tpu.memory_space<vmem>>, vector<1x16xf32>,
      %get3A_198 = vector.shape_cast %get3A_197 : vector<1x16xf32> to vector<16xf32>
      %mul3A_199 = arith.mulf %get3A_198, %bitcast_convert_type3A : vector<16xf32>
      %swap3A = arith.index_cast %scan3A_185 : i32 to index
      %swap3A_200 = arith.constant 0 : index
      %swap3A_201 = tpu.vector_load %arg10[%swap3A, %swap3A_200] {strides = array<i32>} : memref<40x128xf32, #tpu.memory_space<vmem>>, vector<1x16xf32>,
      %swap3A_202 = vector.shape_cast %swap3A_201 : vector<1x16xf32> to vector<16xf32>
      %swap3A_203 = vector.shape_cast %mul3A_199 : vector<16xf32> to vector<1x16xf32>
      tpu.vector_store %arg10[%swap3A, %swap3A_200], %swap3A_203 {strides = array<i32>} : memref<40x128xf32, #tpu.memory_space<vmem>>, vector<1x16xf32>,
      %get3A_204 = arith.index_cast %scan3A_185 : i32 to index
      %get3A_205 = arith.constant 0 : index
      %get3A_206 = tpu.vector_load %arg12[%get3A_204, %get3A_205] {strides = array<i32>} : memref<40x128xf32, #tpu.memory_space<vmem>>, vector<1x16xf32>,
      %get3A_207 = vector.shape_cast %get3A_206 : vector<1x16xf32> to vector<16xf32>
      %mul3A_208 = arith.mulf %get3A_207, %bitcast_convert_type3A_194 : vector<16xf32>
      %swap3A_209 = arith.index_cast %scan3A_185 : i32 to index
      %swap3A_210 = arith.constant 0 : index
      %swap3A_211 = tpu.vector_load %arg12[%swap3A_209, %swap3A_210] {strides = array<i32>} : memref<40x128xf32, #tpu.memory_space<vmem>>, vector<1x16xf32>,
      %swap3A_212 = vector.shape_cast %swap3A_211 : vector<1x16xf32> to vector<16xf32>
      %swap3A_213 = vector.shape_cast %mul3A_208 : vector<16xf32> to vector<1x16xf32>
      tpu.vector_store %arg12[%swap3A_209, %swap3A_210], %swap3A_213 {strides = array<i32>} : memref<40x128xf32, #tpu.memory_space<vmem>>, vector<1x16xf32>,
      %get3A_214 = arith.index_cast %scan3A_185 : i32 to index
      %get3A_215 = arith.constant 16 : index
      %get3A_216 = tpu.vector_load %arg14[%get3A_214, %get3A_215] {strides = array<i32>} : memref<40x128xi32, #tpu.memory_space<vmem>>, vector<1x16xi32>,
      %get3A_217 = vector.shape_cast %get3A_216 : vector<1x16xi32> to vector<16xi32>
      %mul3A_218 = arith.constant 65536 : i32
      %mul3A_219 = vector.broadcast %mul3A_218 : i32 to vector<16xi32>
      %mul3A_220 = arith.muli %get3A_217, %mul3A_219 : vector<16xi32>
      %bitcast_convert_type3A_221 = tpu.bitcast %mul3A_220 : vector<16xi32> -> vector<16xf32>
      %and3A_222 = arith.constant -65536 : i32
      %and3A_223 = vector.broadcast %and3A_222 : i32 to vector<16xi32>
      %and3A_224 = arith.andi %get3A_217, %and3A_223 : vector<16xi32>
      %bitcast_convert_type3A_225 = tpu.bitcast %and3A_224 : vector<16xi32> -> vector<16xf32>
      %get3A_226 = arith.index_cast %scan3A_185 : i32 to index
      %get3A_227 = arith.constant 16 : index
      %get3A_228 = tpu.vector_load %arg10[%get3A_226, %get3A_227] {strides = array<i32>} : memref<40x128xf32, #tpu.memory_space<vmem>>, vector<1x16xf32>,
      %get3A_229 = vector.shape_cast %get3A_228 : vector<1x16xf32> to vector<16xf32>
      %mul3A_230 = arith.mulf %get3A_229, %bitcast_convert_type3A_221 : vector<16xf32>
      %swap3A_231 = arith.index_cast %scan3A_185 : i32 to index
      %swap3A_232 = arith.constant 16 : index
      %swap3A_233 = tpu.vector_load %arg10[%swap3A_231, %swap3A_232] {strides = array<i32>} : memref<40x128xf32, #tpu.memory_space<vmem>>, vector<1x16xf32>,
      %swap3A_234 = vector.shape_cast %swap3A_233 : vector<1x16xf32> to vector<16xf32>
      %swap3A_235 = vector.shape_cast %mul3A_230 : vector<16xf32> to vector<1x16xf32>
      tpu.vector_store %arg10[%swap3A_231, %swap3A_232], %swap3A_235 {strides = array<i32>} : memref<40x128xf32, #tpu.memory_space<vmem>>, vector<1x16xf32>,
      %get3A_236 = arith.index_cast %scan3A_185 : i32 to index
      %get3A_237 = arith.constant 16 : index
      %get3A_238 = tpu.vector_load %arg12[%get3A_236, %get3A_237] {strides = array<i32>} : memref<40x128xf32, #tpu.memory_space<vmem>>, vector<1x16xf32>,
      %get3A_239 = vector.shape_cast %get3A_238 : vector<1x16xf32> to vector<16xf32>
      %mul3A_240 = arith.mulf %get3A_239, %bitcast_convert_type3A_225 : vector<16xf32>
      %swap3A_241 = arith.index_cast %scan3A_185 : i32 to index
      %swap3A_242 = arith.constant 16 : index
      %swap3A_243 = tpu.vector_load %arg12[%swap3A_241, %swap3A_242] {strides = array<i32>} : memref<40x128xf32, #tpu.memory_space<vmem>>, vector<1x16xf32>,
      %swap3A_244 = vector.shape_cast %swap3A_243 : vector<1x16xf32> to vector<16xf32>
      %swap3A_245 = vector.shape_cast %mul3A_240 : vector<16xf32> to vector<1x16xf32>
      tpu.vector_store %arg12[%swap3A_241, %swap3A_242], %swap3A_245 {strides = array<i32>} : memref<40x128xf32, #tpu.memory_space<vmem>>, vector<1x16xf32>,
      %get3A_246 = arith.index_cast %scan3A_185 : i32 to index
      %get3A_247 = arith.constant 32 : index
      %get3A_248 = tpu.vector_load %arg14[%get3A_246, %get3A_247] {strides = array<i32>} : memref<40x128xi32, #tpu.memory_space<vmem>>, vector<1x16xi32>,
      %get3A_249 = vector.shape_cast %get3A_248 : vector<1x16xi32> to vector<16xi32>
      %mul3A_250 = arith.constant 65536 : i32
      %mul3A_251 = vector.broadcast %mul3A_250 : i32 to vector<16xi32>
      %mul3A_252 = arith.muli %get3A_249, %mul3A_251 : vector<16xi32>
      %bitcast_convert_type3A_253 = tpu.bitcast %mul3A_252 : vector<16xi32> -> vector<16xf32>
      %and3A_254 = arith.constant -65536 : i32
      %and3A_255 = vector.broadcast %and3A_254 : i32 to vector<16xi32>
      %and3A_256 = arith.andi %get3A_249, %and3A_255 : vector<16xi32>
      %bitcast_convert_type3A_257 = tpu.bitcast %and3A_256 : vector<16xi32> -> vector<16xf32>
      %get3A_258 = arith.index_cast %scan3A_185 : i32 to index
      %get3A_259 = arith.constant 32 : index
      %get3A_260 = tpu.vector_load %arg10[%get3A_258, %get3A_259] {strides = array<i32>} : memref<40x128xf32, #tpu.memory_space<vmem>>, vector<1x16xf32>,
      %get3A_261 = vector.shape_cast %get3A_260 : vector<1x16xf32> to vector<16xf32>
      %mul3A_262 = arith.mulf %get3A_261, %bitcast_convert_type3A_253 : vector<16xf32>
      %swap3A_263 = arith.index_cast %scan3A_185 : i32 to index
      %swap3A_264 = arith.constant 32 : index
      %swap3A_265 = tpu.vector_load %arg10[%swap3A_263, %swap3A_264] {strides = array<i32>} : memref<40x128xf32, #tpu.memory_space<vmem>>, vector<1x16xf32>,
      %swap3A_266 = vector.shape_cast %swap3A_265 : vector<1x16xf32> to vector<16xf32>
      %swap3A_267 = vector.shape_cast %mul3A_262 : vector<16xf32> to vector<1x16xf32>
      tpu.vector_store %arg10[%swap3A_263, %swap3A_264], %swap3A_267 {strides = array<i32>} : memref<40x128xf32, #tpu.memory_space<vmem>>, vector<1x16xf32>,
      %get3A_268 = arith.index_cast %scan3A_185 : i32 to index
      %get3A_269 = arith.constant 32 : index
      %get3A_270 = tpu.vector_load %arg12[%get3A_268, %get3A_269] {strides = array<i32>} : memref<40x128xf32, #tpu.memory_space<vmem>>, vector<1x16xf32>,
      %get3A_271 = vector.shape_cast %get3A_270 : vector<1x16xf32> to vector<16xf32>
      %mul3A_272 = arith.mulf %get3A_271, %bitcast_convert_type3A_257 : vector<16xf32>
      %swap3A_273 = arith.index_cast %scan3A_185 : i32 to index
      %swap3A_274 = arith.constant 32 : index
      %swap3A_275 = tpu.vector_load %arg12[%swap3A_273, %swap3A_274] {strides = array<i32>} : memref<40x128xf32, #tpu.memory_space<vmem>>, vector<1x16xf32>,
      %swap3A_276 = vector.shape_cast %swap3A_275 : vector<1x16xf32> to vector<16xf32>
      %swap3A_277 = vector.shape_cast %mul3A_272 : vector<16xf32> to vector<1x16xf32>
      tpu.vector_store %arg12[%swap3A_273, %swap3A_274], %swap3A_277 {strides = array<i32>} : memref<40x128xf32, #tpu.memory_space<vmem>>, vector<1x16xf32>,
      %get3A_278 = arith.index_cast %scan3A_185 : i32 to index
      %get3A_279 = arith.constant 48 : index
      %get3A_280 = tpu.vector_load %arg14[%get3A_278, %get3A_279] {strides = array<i32>} : memref<40x128xi32, #tpu.memory_space<vmem>>, vector<1x16xi32>,
      %get3A_281 = vector.shape_cast %get3A_280 : vector<1x16xi32> to vector<16xi32>
      %mul3A_282 = arith.constant 65536 : i32
      %mul3A_283 = vector.broadcast %mul3A_282 : i32 to vector<16xi32>
      %mul3A_284 = arith.muli %get3A_281, %mul3A_283 : vector<16xi32>
      %bitcast_convert_type3A_285 = tpu.bitcast %mul3A_284 : vector<16xi32> -> vector<16xf32>
      %and3A_286 = arith.constant -65536 : i32
      %and3A_287 = vector.broadcast %and3A_286 : i32 to vector<16xi32>
      %and3A_288 = arith.andi %get3A_281, %and3A_287 : vector<16xi32>
      %bitcast_convert_type3A_289 = tpu.bitcast %and3A_288 : vector<16xi32> -> vector<16xf32>
      %get3A_290 = arith.index_cast %scan3A_185 : i32 to index
      %get3A_291 = arith.constant 48 : index
      %get3A_292 = tpu.vector_load %arg10[%get3A_290, %get3A_291] {strides = array<i32>} : memref<40x128xf32, #tpu.memory_space<vmem>>, vector<1x16xf32>,
      %get3A_293 = vector.shape_cast %get3A_292 : vector<1x16xf32> to vector<16xf32>
      %mul3A_294 = arith.mulf %get3A_293, %bitcast_convert_type3A_285 : vector<16xf32>
      %swap3A_295 = arith.index_cast %scan3A_185 : i32 to index
      %swap3A_296 = arith.constant 48 : index
      %swap3A_297 = tpu.vector_load %arg10[%swap3A_295, %swap3A_296] {strides = array<i32>} : memref<40x128xf32, #tpu.memory_space<vmem>>, vector<1x16xf32>,
      %swap3A_298 = vector.shape_cast %swap3A_297 : vector<1x16xf32> to vector<16xf32>
      %swap3A_299 = vector.shape_cast %mul3A_294 : vector<16xf32> to vector<1x16xf32>
      tpu.vector_store %arg10[%swap3A_295, %swap3A_296], %swap3A_299 {strides = array<i32>} : memref<40x128xf32, #tpu.memory_space<vmem>>, vector<1x16xf32>,
      %get3A_300 = arith.index_cast %scan3A_185 : i32 to index
      %get3A_301 = arith.constant 48 : index
      %get3A_302 = tpu.vector_load %arg12[%get3A_300, %get3A_301] {strides = array<i32>} : memref<40x128xf32, #tpu.memory_space<vmem>>, vector<1x16xf32>,
      %get3A_303 = vector.shape_cast %get3A_302 : vector<1x16xf32> to vector<16xf32>
      %mul3A_304 = arith.mulf %get3A_303, %bitcast_convert_type3A_289 : vector<16xf32>
      %swap3A_305 = arith.index_cast %scan3A_185 : i32 to index
      %swap3A_306 = arith.constant 48 : index
      %swap3A_307 = tpu.vector_load %arg12[%swap3A_305, %swap3A_306] {strides = array<i32>} : memref<40x128xf32, #tpu.memory_space<vmem>>, vector<1x16xf32>,
      %swap3A_308 = vector.shape_cast %swap3A_307 : vector<1x16xf32> to vector<16xf32>
      %swap3A_309 = vector.shape_cast %mul3A_304 : vector<16xf32> to vector<1x16xf32>
      tpu.vector_store %arg12[%swap3A_305, %swap3A_306], %swap3A_309 {strides = array<i32>} : memref<40x128xf32, #tpu.memory_space<vmem>>, vector<1x16xf32>,
      %get3A_310 = arith.index_cast %scan3A_185 : i32 to index
      %get3A_311 = arith.constant 64 : index
      %get3A_312 = tpu.vector_load %arg14[%get3A_310, %get3A_311] {strides = array<i32>} : memref<40x128xi32, #tpu.memory_space<vmem>>, vector<1x16xi32>,
      %get3A_313 = vector.shape_cast %get3A_312 : vector<1x16xi32> to vector<16xi32>
      %mul3A_314 = arith.constant 65536 : i32
      %mul3A_315 = vector.broadcast %mul3A_314 : i32 to vector<16xi32>
      %mul3A_316 = arith.muli %get3A_313, %mul3A_315 : vector<16xi32>
      %bitcast_convert_type3A_317 = tpu.bitcast %mul3A_316 : vector<16xi32> -> vector<16xf32>
      %and3A_318 = arith.constant -65536 : i32
      %and3A_319 = vector.broadcast %and3A_318 : i32 to vector<16xi32>
      %and3A_320 = arith.andi %get3A_313, %and3A_319 : vector<16xi32>
      %bitcast_convert_type3A_321 = tpu.bitcast %and3A_320 : vector<16xi32> -> vector<16xf32>
      %get3A_322 = arith.index_cast %scan3A_185 : i32 to index
      %get3A_323 = arith.constant 64 : index
      %get3A_324 = tpu.vector_load %arg10[%get3A_322, %get3A_323] {strides = array<i32>} : memref<40x128xf32, #tpu.memory_space<vmem>>, vector<1x16xf32>,
      %get3A_325 = vector.shape_cast %get3A_324 : vector<1x16xf32> to vector<16xf32>
      %mul3A_326 = arith.mulf %get3A_325, %bitcast_convert_type3A_317 : vector<16xf32>
      %swap3A_327 = arith.index_cast %scan3A_185 : i32 to index
      %swap3A_328 = arith.constant 64 : index
      %swap3A_329 = tpu.vector_load %arg10[%swap3A_327, %swap3A_328] {strides = array<i32>} : memref<40x128xf32, #tpu.memory_space<vmem>>, vector<1x16xf32>,
      %swap3A_330 = vector.shape_cast %swap3A_329 : vector<1x16xf32> to vector<16xf32>
      %swap3A_331 = vector.shape_cast %mul3A_326 : vector<16xf32> to vector<1x16xf32>
      tpu.vector_store %arg10[%swap3A_327, %swap3A_328], %swap3A_331 {strides = array<i32>} : memref<40x128xf32, #tpu.memory_space<vmem>>, vector<1x16xf32>,
      %get3A_332 = arith.index_cast %scan3A_185 : i32 to index
      %get3A_333 = arith.constant 64 : index
      %get3A_334 = tpu.vector_load %arg12[%get3A_332, %get3A_333] {strides = array<i32>} : memref<40x128xf32, #tpu.memory_space<vmem>>, vector<1x16xf32>,
      %get3A_335 = vector.shape_cast %get3A_334 : vector<1x16xf32> to vector<16xf32>
      %mul3A_336 = arith.mulf %get3A_335, %bitcast_convert_type3A_321 : vector<16xf32>
      %swap3A_337 = arith.index_cast %scan3A_185 : i32 to index
      %swap3A_338 = arith.constant 64 : index
      %swap3A_339 = tpu.vector_load %arg12[%swap3A_337, %swap3A_338] {strides = array<i32>} : memref<40x128xf32, #tpu.memory_space<vmem>>, vector<1x16xf32>,
      %swap3A_340 = vector.shape_cast %swap3A_339 : vector<1x16xf32> to vector<16xf32>
      %swap3A_341 = vector.shape_cast %mul3A_336 : vector<16xf32> to vector<1x16xf32>
      tpu.vector_store %arg12[%swap3A_337, %swap3A_338], %swap3A_341 {strides = array<i32>} : memref<40x128xf32, #tpu.memory_space<vmem>>, vector<1x16xf32>,
      %get3A_342 = arith.index_cast %scan3A_185 : i32 to index
      %get3A_343 = arith.constant 80 : index
      %get3A_344 = tpu.vector_load %arg14[%get3A_342, %get3A_343] {strides = array<i32>} : memref<40x128xi32, #tpu.memory_space<vmem>>, vector<1x16xi32>,
      %get3A_345 = vector.shape_cast %get3A_344 : vector<1x16xi32> to vector<16xi32>
      %mul3A_346 = arith.constant 65536 : i32
      %mul3A_347 = vector.broadcast %mul3A_346 : i32 to vector<16xi32>
      %mul3A_348 = arith.muli %get3A_345, %mul3A_347 : vector<16xi32>
      %bitcast_convert_type3A_349 = tpu.bitcast %mul3A_348 : vector<16xi32> -> vector<16xf32>
      %and3A_350 = arith.constant -65536 : i32
      %and3A_351 = vector.broadcast %and3A_350 : i32 to vector<16xi32>
      %and3A_352 = arith.andi %get3A_345, %and3A_351 : vector<16xi32>
      %bitcast_convert_type3A_353 = tpu.bitcast %and3A_352 : vector<16xi32> -> vector<16xf32>
      %get3A_354 = arith.index_cast %scan3A_185 : i32 to index
      %get3A_355 = arith.constant 80 : index
      %get3A_356 = tpu.vector_load %arg10[%get3A_354, %get3A_355] {strides = array<i32>} : memref<40x128xf32, #tpu.memory_space<vmem>>, vector<1x16xf32>,
      %get3A_357 = vector.shape_cast %get3A_356 : vector<1x16xf32> to vector<16xf32>
      %mul3A_358 = arith.mulf %get3A_357, %bitcast_convert_type3A_349 : vector<16xf32>
      %swap3A_359 = arith.index_cast %scan3A_185 : i32 to index
      %swap3A_360 = arith.constant 80 : index
      %swap3A_361 = tpu.vector_load %arg10[%swap3A_359, %swap3A_360] {strides = array<i32>} : memref<40x128xf32, #tpu.memory_space<vmem>>, vector<1x16xf32>,
      %swap3A_362 = vector.shape_cast %swap3A_361 : vector<1x16xf32> to vector<16xf32>
      %swap3A_363 = vector.shape_cast %mul3A_358 : vector<16xf32> to vector<1x16xf32>
      tpu.vector_store %arg10[%swap3A_359, %swap3A_360], %swap3A_363 {strides = array<i32>} : memref<40x128xf32, #tpu.memory_space<vmem>>, vector<1x16xf32>,
      %get3A_364 = arith.index_cast %scan3A_185 : i32 to index
      %get3A_365 = arith.constant 80 : index
      %get3A_366 = tpu.vector_load %arg12[%get3A_364, %get3A_365] {strides = array<i32>} : memref<40x128xf32, #tpu.memory_space<vmem>>, vector<1x16xf32>,
      %get3A_367 = vector.shape_cast %get3A_366 : vector<1x16xf32> to vector<16xf32>
      %mul3A_368 = arith.mulf %get3A_367, %bitcast_convert_type3A_353 : vector<16xf32>
      %swap3A_369 = arith.index_cast %scan3A_185 : i32 to index
      %swap3A_370 = arith.constant 80 : index
      %swap3A_371 = tpu.vector_load %arg12[%swap3A_369, %swap3A_370] {strides = array<i32>} : memref<40x128xf32, #tpu.memory_space<vmem>>, vector<1x16xf32>,
      %swap3A_372 = vector.shape_cast %swap3A_371 : vector<1x16xf32> to vector<16xf32>
      %swap3A_373 = vector.shape_cast %mul3A_368 : vector<16xf32> to vector<1x16xf32>
      tpu.vector_store %arg12[%swap3A_369, %swap3A_370], %swap3A_373 {strides = array<i32>} : memref<40x128xf32, #tpu.memory_space<vmem>>, vector<1x16xf32>,
      %get3A_374 = arith.index_cast %scan3A_185 : i32 to index
      %get3A_375 = arith.constant 96 : index
      %get3A_376 = tpu.vector_load %arg14[%get3A_374, %get3A_375] {strides = array<i32>} : memref<40x128xi32, #tpu.memory_space<vmem>>, vector<1x16xi32>,
      %get3A_377 = vector.shape_cast %get3A_376 : vector<1x16xi32> to vector<16xi32>
      %mul3A_378 = arith.constant 65536 : i32
      %mul3A_379 = vector.broadcast %mul3A_378 : i32 to vector<16xi32>
      %mul3A_380 = arith.muli %get3A_377, %mul3A_379 : vector<16xi32>
      %bitcast_convert_type3A_381 = tpu.bitcast %mul3A_380 : vector<16xi32> -> vector<16xf32>
      %and3A_382 = arith.constant -65536 : i32
      %and3A_383 = vector.broadcast %and3A_382 : i32 to vector<16xi32>
      %and3A_384 = arith.andi %get3A_377, %and3A_383 : vector<16xi32>
      %bitcast_convert_type3A_385 = tpu.bitcast %and3A_384 : vector<16xi32> -> vector<16xf32>
      %get3A_386 = arith.index_cast %scan3A_185 : i32 to index
      %get3A_387 = arith.constant 96 : index
      %get3A_388 = tpu.vector_load %arg10[%get3A_386, %get3A_387] {strides = array<i32>} : memref<40x128xf32, #tpu.memory_space<vmem>>, vector<1x16xf32>,
      %get3A_389 = vector.shape_cast %get3A_388 : vector<1x16xf32> to vector<16xf32>
      %mul3A_390 = arith.mulf %get3A_389, %bitcast_convert_type3A_381 : vector<16xf32>
      %swap3A_391 = arith.index_cast %scan3A_185 : i32 to index
      %swap3A_392 = arith.constant 96 : index
      %swap3A_393 = tpu.vector_load %arg10[%swap3A_391, %swap3A_392] {strides = array<i32>} : memref<40x128xf32, #tpu.memory_space<vmem>>, vector<1x16xf32>,
      %swap3A_394 = vector.shape_cast %swap3A_393 : vector<1x16xf32> to vector<16xf32>
      %swap3A_395 = vector.shape_cast %mul3A_390 : vector<16xf32> to vector<1x16xf32>
      tpu.vector_store %arg10[%swap3A_391, %swap3A_392], %swap3A_395 {strides = array<i32>} : memref<40x128xf32, #tpu.memory_space<vmem>>, vector<1x16xf32>,
      %get3A_396 = arith.index_cast %scan3A_185 : i32 to index
      %get3A_397 = arith.constant 96 : index
      %get3A_398 = tpu.vector_load %arg12[%get3A_396, %get3A_397] {strides = array<i32>} : memref<40x128xf32, #tpu.memory_space<vmem>>, vector<1x16xf32>,
      %get3A_399 = vector.shape_cast %get3A_398 : vector<1x16xf32> to vector<16xf32>
      %mul3A_400 = arith.mulf %get3A_399, %bitcast_convert_type3A_385 : vector<16xf32>
      %swap3A_401 = arith.index_cast %scan3A_185 : i32 to index
      %swap3A_402 = arith.constant 96 : index
      %swap3A_403 = tpu.vector_load %arg12[%swap3A_401, %swap3A_402] {strides = array<i32>} : memref<40x128xf32, #tpu.memory_space<vmem>>, vector<1x16xf32>,
      %swap3A_404 = vector.shape_cast %swap3A_403 : vector<1x16xf32> to vector<16xf32>
      %swap3A_405 = vector.shape_cast %mul3A_400 : vector<16xf32> to vector<1x16xf32>
      tpu.vector_store %arg12[%swap3A_401, %swap3A_402], %swap3A_405 {strides = array<i32>} : memref<40x128xf32, #tpu.memory_space<vmem>>, vector<1x16xf32>,
      %get3A_406 = arith.index_cast %scan3A_185 : i32 to index
      %get3A_407 = arith.constant 112 : index
      %get3A_408 = tpu.vector_load %arg14[%get3A_406, %get3A_407] {strides = array<i32>} : memref<40x128xi32, #tpu.memory_space<vmem>>, vector<1x16xi32>,
      %get3A_409 = vector.shape_cast %get3A_408 : vector<1x16xi32> to vector<16xi32>
      %mul3A_410 = arith.constant 65536 : i32
      %mul3A_411 = vector.broadcast %mul3A_410 : i32 to vector<16xi32>
      %mul3A_412 = arith.muli %get3A_409, %mul3A_411 : vector<16xi32>
      %bitcast_convert_type3A_413 = tpu.bitcast %mul3A_412 : vector<16xi32> -> vector<16xf32>
      %and3A_414 = arith.constant -65536 : i32
      %and3A_415 = vector.broadcast %and3A_414 : i32 to vector<16xi32>
      %and3A_416 = arith.andi %get3A_409, %and3A_415 : vector<16xi32>
      %bitcast_convert_type3A_417 = tpu.bitcast %and3A_416 : vector<16xi32> -> vector<16xf32>
      %get3A_418 = arith.index_cast %scan3A_185 : i32 to index
      %get3A_419 = arith.constant 112 : index
      %get3A_420 = tpu.vector_load %arg10[%get3A_418, %get3A_419] {strides = array<i32>} : memref<40x128xf32, #tpu.memory_space<vmem>>, vector<1x16xf32>,
      %get3A_421 = vector.shape_cast %get3A_420 : vector<1x16xf32> to vector<16xf32>
      %mul3A_422 = arith.mulf %get3A_421, %bitcast_convert_type3A_413 : vector<16xf32>
      %swap3A_423 = arith.index_cast %scan3A_185 : i32 to index
      %swap3A_424 = arith.constant 112 : index
      %swap3A_425 = tpu.vector_load %arg10[%swap3A_423, %swap3A_424] {strides = array<i32>} : memref<40x128xf32, #tpu.memory_space<vmem>>, vector<1x16xf32>,
      %swap3A_426 = vector.shape_cast %swap3A_425 : vector<1x16xf32> to vector<16xf32>
      %swap3A_427 = vector.shape_cast %mul3A_422 : vector<16xf32> to vector<1x16xf32>
      tpu.vector_store %arg10[%swap3A_423, %swap3A_424], %swap3A_427 {strides = array<i32>} : memref<40x128xf32, #tpu.memory_space<vmem>>, vector<1x16xf32>,
      %get3A_428 = arith.index_cast %scan3A_185 : i32 to index
      %get3A_429 = arith.constant 112 : index
      %get3A_430 = tpu.vector_load %arg12[%get3A_428, %get3A_429] {strides = array<i32>} : memref<40x128xf32, #tpu.memory_space<vmem>>, vector<1x16xf32>,
      %get3A_431 = vector.shape_cast %get3A_430 : vector<1x16xf32> to vector<16xf32>
      %mul3A_432 = arith.mulf %get3A_431, %bitcast_convert_type3A_417 : vector<16xf32>
      %swap3A_433 = arith.index_cast %scan3A_185 : i32 to index
      %swap3A_434 = arith.constant 112 : index
      %swap3A_435 = tpu.vector_load %arg12[%swap3A_433, %swap3A_434] {strides = array<i32>} : memref<40x128xf32, #tpu.memory_space<vmem>>, vector<1x16xf32>,
      %swap3A_436 = vector.shape_cast %swap3A_435 : vector<1x16xf32> to vector<16xf32>
      %swap3A_437 = vector.shape_cast %mul3A_432 : vector<16xf32> to vector<1x16xf32>
      tpu.vector_store %arg12[%swap3A_433, %swap3A_434], %swap3A_437 {strides = array<i32>} : memref<40x128xf32, #tpu.memory_space<vmem>>, vector<1x16xf32>,
    }
    %scan3A_143 = arith.constant 40 : i32
    %dma_start3A_144 = arith.constant 0 : i32
    %dma_start3A_145 = arith.constant 0 : i32
    %dma_start3A_146 = tpu.memref_slice %arg8[%dma_start3A_144, %dma_start3A_145] : memref<10000x128xf32, #tpu.memory_space<vmem_shared>> -> memref<10000x128xf32, #tpu.memory_space<vmem_shared>>
    tpu.enqueue_indirect_dma source(%arg10 : memref<40x128xf32, #tpu.memory_space<vmem>>) target(%dma_start3A_146 : memref<10000x128xf32, #tpu.memory_space<vmem_shared>>) offsets(%arg16 : memref<40xi32, #tpu.memory_space<vmem>>) semaphore(%arg26 : memref<!tpu.dma_semaphore, #tpu.memory_space<semaphore_mem>>) {add = true}
    %dma_start3A_147 = arith.constant 0 : i32
    %dma_start3A_148 = arith.constant 0 : i32
    %dma_start3A_149 = tpu.memref_slice %arg8[%dma_start3A_147, %dma_start3A_148] : memref<10000x128xf32, #tpu.memory_space<vmem_shared>> -> memref<10000x128xf32, #tpu.memory_space<vmem_shared>>
    tpu.enqueue_indirect_dma source(%arg12 : memref<40x128xf32, #tpu.memory_space<vmem>>) target(%dma_start3A_149 : memref<10000x128xf32, #tpu.memory_space<vmem_shared>>) offsets(%arg18 : memref<40xi32, #tpu.memory_space<vmem>>) semaphore(%arg28 : memref<!tpu.dma_semaphore, #tpu.memory_space<semaphore_mem>>) {add = true}
    %dma_wait3A_150 = arith.constant 0 : i32
    %dma_wait3A_151 = arith.constant 0 : i32
    %dma_wait3A_152 = tpu.memref_slice %arg8[%dma_wait3A_150, %dma_wait3A_151] : memref<10000x128xf32, #tpu.memory_space<vmem_shared>> -> memref<10000x128xf32, #tpu.memory_space<vmem_shared>>
    tpu.wait_indirect_dma semaphore(%arg26 : memref<!tpu.dma_semaphore, #tpu.memory_space<semaphore_mem>>) src(%arg10 : memref<40x128xf32, #tpu.memory_space<vmem>>) dst(%dma_wait3A_152 : memref<10000x128xf32, #tpu.memory_space<vmem_shared>>)
    %dma_wait3A_153 = arith.constant 0 : i32
    %dma_wait3A_154 = arith.constant 0 : i32
    %dma_wait3A_155 = tpu.memref_slice %arg8[%dma_wait3A_153, %dma_wait3A_154] : memref<10000x128xf32, #tpu.memory_space<vmem_shared>> -> memref<10000x128xf32, #tpu.memory_space<vmem_shared>>
    tpu.wait_indirect_dma semaphore(%arg28 : memref<!tpu.dma_semaphore, #tpu.memory_space<semaphore_mem>>) src(%arg12 : memref<40x128xf32, #tpu.memory_space<vmem>>) dst(%dma_wait3A_155 : memref<10000x128xf32, #tpu.memory_space<vmem_shared>>)
    %dma_wait3A_156 = arith.constant 0 : i32
    %dma_wait3A_157 = arith.constant 0 : i32
    %dma_wait3A_158 = tpu.memref_slice %arg8[%dma_wait3A_156, %dma_wait3A_157] : memref<10000x128xf32, #tpu.memory_space<vmem_shared>> -> memref<10000x128xf32, #tpu.memory_space<vmem_shared>>
    tpu.wait_indirect_dma semaphore(%arg27 : memref<!tpu.dma_semaphore, #tpu.memory_space<semaphore_mem>>) src(%arg11 : memref<40x128xf32, #tpu.memory_space<vmem>>) dst(%dma_wait3A_158 : memref<10000x128xf32, #tpu.memory_space<vmem_shared>>)
    %dma_wait3A_159 = arith.constant 0 : i32
    %dma_wait3A_160 = arith.constant 0 : i32
    %dma_wait3A_161 = tpu.memref_slice %arg8[%dma_wait3A_159, %dma_wait3A_160] : memref<10000x128xf32, #tpu.memory_space<vmem_shared>> -> memref<10000x128xf32, #tpu.memory_space<vmem_shared>>
    tpu.wait_indirect_dma semaphore(%arg29 : memref<!tpu.dma_semaphore, #tpu.memory_space<semaphore_mem>>) src(%arg13 : memref<40x128xf32, #tpu.memory_space<vmem>>) dst(%dma_wait3A_161 : memref<10000x128xf32, #tpu.memory_space<vmem_shared>>)
    %barrier3A_162 = arith.constant 0 : index
    tpu.barrier barrier_id(%barrier3A_162)
    %mul3A_163 = arith.constant 624 : i32
    %mul3A_164 = arith.muli %mul3A_163, %arg1 : i32
    %multiple_of3A_165 = tpu.assume_multiple %mul3A_164, 8 : i32
    %dma_start3A_166 = arith.constant 0 : i32
    %dma_start3A_167 = tpu.memref_slice %arg7[%arg0, %multiple_of3A_165, %dma_start3A_166] : memref<2x10000x128xf32, #tpu.memory_space<hbm>> -> memref<1x624x128xf32, #tpu.memory_space<hbm>>
    %dma_start3A_168 = tpu.memref_squeeze %dma_start3A_167 : memref<1x624x128xf32, #tpu.memory_space<hbm>> -> memref<624x128xf32, #tpu.memory_space<hbm>>
    %dma_start3A_169 = arith.constant 0 : i32
    %dma_start3A_170 = tpu.memref_slice %arg8[%multiple_of3A_165, %dma_start3A_169] : memref<10000x128xf32, #tpu.memory_space<vmem_shared>> -> memref<624x128xf32, #tpu.memory_space<vmem_shared>>
    tpu.enqueue_dma source(%dma_start3A_170 : memref<624x128xf32, #tpu.memory_space<vmem_shared>>) target(%dma_start3A_168 : memref<624x128xf32, #tpu.memory_space<hbm>>) target_semaphore(%arg32 : memref<!tpu.dma_semaphore, #tpu.memory_space<semaphore_mem>>)
    %eq3A = arith.constant 15 : i32
    %eq3A_171 = arith.cmpi eq, %arg1, %eq3A : i32
    %convert_element_type3A_172 = arith.extui %eq3A_171 : i1 to i32
    %cond3A_173 = arith.constant 0 : i32
    %cond3A_174 = arith.cmpi ne, %convert_element_type3A_172, %cond3A_173 : i32
    scf.if %cond3A_174 {
      %dma_start3A_185 = arith.constant 9984 : i32
      %dma_start3A_186 = arith.constant 0 : i32
      %dma_start3A_187 = tpu.memref_slice %arg7[%arg0, %dma_start3A_185, %dma_start3A_186] : memref<2x10000x128xf32, #tpu.memory_space<hbm>> -> memref<1x16x128xf32, #tpu.memory_space<hbm>>
      %dma_start3A_188 = tpu.memref_squeeze %dma_start3A_187 : memref<1x16x128xf32, #tpu.memory_space<hbm>> -> memref<16x128xf32, #tpu.memory_space<hbm>>
      %dma_start3A_189 = arith.constant 9984 : i32
      %dma_start3A_190 = arith.constant 0 : i32
      %dma_start3A_191 = tpu.memref_slice %arg8[%dma_start3A_189, %dma_start3A_190] : memref<10000x128xf32, #tpu.memory_space<vmem_shared>> -> memref<16x128xf32, #tpu.memory_space<vmem_shared>>
      tpu.enqueue_dma source(%dma_start3A_191 : memref<16x128xf32, #tpu.memory_space<vmem_shared>>) target(%dma_start3A_188 : memref<16x128xf32, #tpu.memory_space<hbm>>) target_semaphore(%arg32 : memref<!tpu.dma_semaphore, #tpu.memory_space<semaphore_mem>>)
    } else {
    }
    %dma_wait3A_175 = arith.constant 0 : i32
    %dma_wait3A_176 = tpu.memref_slice %arg7[%arg0, %multiple_of3A_165, %dma_wait3A_175] : memref<2x10000x128xf32, #tpu.memory_space<hbm>> -> memref<1x624x128xf32, #tpu.memory_space<hbm>>
    %dma_wait3A_177 = tpu.memref_squeeze %dma_wait3A_176 : memref<1x624x128xf32, #tpu.memory_space<hbm>> -> memref<624x128xf32, #tpu.memory_space<hbm>>
    %dma_wait3A_178 = arith.constant 0 : i32
    %dma_wait3A_179 = tpu.memref_slice %arg8[%multiple_of3A_165, %dma_wait3A_178] : memref<10000x128xf32, #tpu.memory_space<vmem_shared>> -> memref<624x128xf32, #tpu.memory_space<vmem_shared>>
    tpu.wait_dma2 semaphore(%arg32 : memref<!tpu.dma_semaphore, #tpu.memory_space<semaphore_mem>>) src(%dma_wait3A_179 : memref<624x128xf32, #tpu.memory_space<vmem_shared>>) dst(%dma_wait3A_177 : memref<624x128xf32, #tpu.memory_space<hbm>>)
    %eq3A_180 = arith.constant 15 : i32
    %eq3A_181 = arith.cmpi eq, %arg1, %eq3A_180 : i32
    %convert_element_type3A_182 = arith.extui %eq3A_181 : i1 to i32
    %cond3A_183 = arith.constant 0 : i32
    %cond3A_184 = arith.cmpi ne, %convert_element_type3A_182, %cond3A_183 : i32
    scf.if %cond3A_184 {
      %dma_wait3A_185 = arith.constant 9984 : i32
      %dma_wait3A_186 = arith.constant 0 : i32
      %dma_wait3A_187 = tpu.memref_slice %arg7[%arg0, %dma_wait3A_185, %dma_wait3A_186] : memref<2x10000x128xf32, #tpu.memory_space<hbm>> -> memref<1x16x128xf32, #tpu.memory_space<hbm>>
      %dma_wait3A_188 = tpu.memref_squeeze %dma_wait3A_187 : memref<1x16x128xf32, #tpu.memory_space<hbm>> -> memref<16x128xf32, #tpu.memory_space<hbm>>
      %dma_wait3A_189 = arith.constant 9984 : i32
      %dma_wait3A_190 = arith.constant 0 : i32
      %dma_wait3A_191 = tpu.memref_slice %arg8[%dma_wait3A_189, %dma_wait3A_190] : memref<10000x128xf32, #tpu.memory_space<vmem_shared>> -> memref<16x128xf32, #tpu.memory_space<vmem_shared>>
      tpu.wait_dma2 semaphore(%arg32 : memref<!tpu.dma_semaphore, #tpu.memory_space<semaphore_mem>>) src(%dma_wait3A_191 : memref<16x128xf32, #tpu.memory_space<vmem_shared>>) dst(%dma_wait3A_188 : memref<16x128xf32, #tpu.memory_space<hbm>>)
    } else {
    }
    return
  }
}

module attributes {stable_mosaic.version = 14 : i64} {
  func.func @_h_body(%arg0: memref<10000x128xf32, #tpu.memory_space<vmem>>, %arg1: memref<128x128xf32, #tpu.memory_space<vmem>>, %arg2: memref<10000x128xf32, #tpu.memory_space<vmem>>) attributes {dimension_semantics = [], scalar_prefetch = 0 : i64, scratch_operands = 0 : i64, tpu.core_type = #tpu.core_type<tc>} {
    %get3A = arith.constant 0 : index
    %get3A_0 = arith.constant 0 : index
    %get3A_1 = vector.load %arg0[%get3A, %get3A_0] : memref<10000x128xf32, #tpu.memory_space<vmem>>, vector<10000x128xf32>
    %get3A_2 = arith.constant 0 : index
    %get3A_3 = arith.constant 0 : index
    %get3A_4 = vector.load %arg1[%get3A_2, %get3A_3] : memref<128x128xf32, #tpu.memory_space<vmem>>, vector<128x128xf32>
    %dot_general3A = arith.constant dense<0.000000e+00> : vector<10000x128xf32>
    %dot_general3A_5 = tpu.matmul %get3A_1, %get3A_4, %dot_general3A {dimension_numbers = #tpu.dot_dimension_numbers<[1], [0], [0], [1], [0, 0, 1, 1], [], []>, transpose_lhs_hint = false} : vector<10000x128xf32>, vector<128x128xf32>, vector<10000x128xf32> -> vector<10000x128xf32>
    %swap3A = arith.constant 0 : index
    %swap3A_6 = arith.constant 0 : index
    %swap3A_7 = vector.load %arg2[%swap3A, %swap3A_6] : memref<10000x128xf32, #tpu.memory_space<vmem>>, vector<10000x128xf32>
    tpu.vector_store %arg2[%swap3A, %swap3A_6], %dot_general3A_5 {strides = array<i32>} : memref<10000x128xf32, #tpu.memory_space<vmem>>, vector<10000x128xf32>,
    return
  }
}

module attributes {stable_mosaic.version = 14 : i64} {
  func.func @_out_body(%arg0: memref<2x10000x128xf32, #tpu.memory_space<vmem>>, %arg1: memref<128x128xf32, #tpu.memory_space<vmem>>, %arg2: memref<1x128xf32, #tpu.memory_space<vmem>>, %arg3: memref<128x128xf32, #tpu.memory_space<vmem>>, %arg4: memref<1x128xf32, #tpu.memory_space<vmem>>, %arg5: memref<10000x128xf32, #tpu.memory_space<vmem>>) attributes {dimension_semantics = [], scalar_prefetch = 0 : i64, scratch_operands = 0 : i64, tpu.core_type = #tpu.core_type<tc>} {
    %get3A = arith.constant 0 : index
    %get3A_0 = arith.constant 0 : index
    %get3A_1 = arith.constant 0 : index
    %get3A_2 = vector.load %arg0[%get3A, %get3A_0, %get3A_1] : memref<2x10000x128xf32, #tpu.memory_space<vmem>>, vector<1x10000x128xf32>
    %get3A_3 = vector.shape_cast %get3A_2 : vector<1x10000x128xf32> to vector<10000x128xf32>
    %get3A_4 = arith.constant 1 : index
    %get3A_5 = arith.constant 0 : index
    %get3A_6 = arith.constant 0 : index
    %get3A_7 = vector.load %arg0[%get3A_4, %get3A_5, %get3A_6] : memref<2x10000x128xf32, #tpu.memory_space<vmem>>, vector<1x10000x128xf32>
    %get3A_8 = vector.shape_cast %get3A_7 : vector<1x10000x128xf32> to vector<10000x128xf32>
    %add3A = arith.addf %get3A_3, %get3A_8 : vector<10000x128xf32>
    %get3A_9 = arith.constant 0 : index
    %get3A_10 = arith.constant 0 : index
    %get3A_11 = vector.load %arg1[%get3A_9, %get3A_10] : memref<128x128xf32, #tpu.memory_space<vmem>>, vector<128x128xf32>
    %dot_general3A = arith.constant dense<0.000000e+00> : vector<10000x128xf32>
    %dot_general3A_12 = tpu.matmul %add3A, %get3A_11, %dot_general3A {dimension_numbers = #tpu.dot_dimension_numbers<[1], [0], [0], [1], [0, 0, 1, 1], [], []>, transpose_lhs_hint = false} : vector<10000x128xf32>, vector<128x128xf32>, vector<10000x128xf32> -> vector<10000x128xf32>
    %get3A_13 = arith.constant 0 : index
    %get3A_14 = arith.constant 0 : index
    %get3A_15 = vector.load %arg2[%get3A_13, %get3A_14] : memref<1x128xf32, #tpu.memory_space<vmem>>, vector<1x128xf32>
    %add3A_16 = vector.broadcast %get3A_15 : vector<1x128xf32> to vector<10000x128xf32>
    %add3A_17 = arith.addf %dot_general3A_12, %add3A_16 : vector<10000x128xf32>
    %custom_jvp_call3A = arith.constant 0.000000e+00 : f32
    %max3A = vector.broadcast %custom_jvp_call3A : f32 to vector<10000x128xf32>
    %max3A_18 = arith.maximumf %add3A_17, %max3A : vector<10000x128xf32>
    %sub3A = vector.broadcast %custom_jvp_call3A : f32 to vector<10000x128xf32>
    %sub3A_19 = arith.subf %add3A_17, %sub3A : vector<10000x128xf32>
    %ne3A = arith.cmpf one, %sub3A_19, %sub3A_19 : vector<10000x128xf32>
    %add3A_20 = vector.broadcast %custom_jvp_call3A : f32 to vector<10000x128xf32>
    %add3A_21 = arith.addf %add3A_17, %add3A_20 : vector<10000x128xf32>
    %abs3A = math.absf %sub3A_19 : vector<10000x128xf32>
    %neg3A = arith.constant 0.000000e+00 : f32
    %neg3A_22 = vector.broadcast %neg3A : f32 to vector<10000x128xf32>
    %neg3A_23 = arith.subf %neg3A_22, %abs3A : vector<10000x128xf32>
    %exp3A = math.exp %neg3A_23 : vector<10000x128xf32>
    %log1p3A = math.log1p %exp3A : vector<10000x128xf32>
    %add3A_24 = arith.addf %max3A_18, %log1p3A : vector<10000x128xf32>
    %select_n3A = arith.select %ne3A, %add3A_21, %add3A_24 : vector<10000x128xi1>, vector<10000x128xf32>
    %sub3A_25 = arith.constant 0.693147182 : f32
    %sub3A_26 = vector.broadcast %sub3A_25 : f32 to vector<10000x128xf32>
    %sub3A_27 = arith.subf %select_n3A, %sub3A_26 : vector<10000x128xf32>
    %get3A_28 = arith.constant 0 : index
    %get3A_29 = arith.constant 0 : index
    %get3A_30 = vector.load %arg3[%get3A_28, %get3A_29] : memref<128x128xf32, #tpu.memory_space<vmem>>, vector<128x128xf32>
    %dot_general3A_31 = arith.constant dense<0.000000e+00> : vector<10000x128xf32>
    %dot_general3A_32 = tpu.matmul %sub3A_27, %get3A_30, %dot_general3A_31 {dimension_numbers = #tpu.dot_dimension_numbers<[1], [0], [0], [1], [0, 0, 1, 1], [], []>, transpose_lhs_hint = false} : vector<10000x128xf32>, vector<128x128xf32>, vector<10000x128xf32> -> vector<10000x128xf32>
    %get3A_33 = arith.constant 0 : index
    %get3A_34 = arith.constant 0 : index
    %get3A_35 = vector.load %arg4[%get3A_33, %get3A_34] : memref<1x128xf32, #tpu.memory_space<vmem>>, vector<1x128xf32>
    %add3A_36 = vector.broadcast %get3A_35 : vector<1x128xf32> to vector<10000x128xf32>
    %add3A_37 = arith.addf %dot_general3A_32, %add3A_36 : vector<10000x128xf32>
    %swap3A = arith.constant 0 : index
    %swap3A_38 = arith.constant 0 : index
    %swap3A_39 = vector.load %arg5[%swap3A, %swap3A_38] : memref<10000x128xf32, #tpu.memory_space<vmem>>, vector<10000x128xf32>
    tpu.vector_store %arg5[%swap3A, %swap3A_38], %add3A_37 {strides = array<i32>} : memref<10000x128xf32, #tpu.memory_space<vmem>>, vector<10000x128xf32>,
    return
  }
}

module attributes {stable_mosaic.version = 14 : i64} {
  func.func @_filter_body(%arg0: i32, %arg1: memref<3200x50xf32, #tpu.memory_space<vmem>>, %arg2: memref<3200x50xf32, #tpu.memory_space<vmem>>, %arg3: memref<1x25x128xf32, #tpu.memory_space<vmem>>, %arg4: memref<1x25x128xf32, #tpu.memory_space<vmem>>, %arg5: memref<50x128xf32, #tpu.memory_space<vmem>>, %arg6: memref<1x128xf32, #tpu.memory_space<vmem>>, %arg7: memref<128x128xf32, #tpu.memory_space<vmem>>, %arg8: memref<1x128xf32, #tpu.memory_space<vmem>>, %arg9: memref<3200x128xi32, #tpu.memory_space<vmem>>) attributes {dimension_semantics = [#tpu.dimension_semantics<arbitrary>], iteration_bounds = array<i64: 50>, scalar_prefetch = 0 : i64, scratch_operands = 0 : i64, tpu.core_type = #tpu.core_type<tc>, window_params = [{transform_indices = @transform_0, window_bounds = array<i64: 3200, 50>}, {transform_indices = @transform_1, window_bounds = array<i64: 3200, 50>}, {transform_indices = @transform_2, window_bounds = array<i64: 1, 25, 128>}, {transform_indices = @transform_3, window_bounds = array<i64: 1, 25, 128>}, {pipeline_mode = #tpu.pipeline_mode<synchronous>, transform_indices = @transform_4, window_bounds = array<i64: 50, 128>}, {pipeline_mode = #tpu.pipeline_mode<synchronous>, transform_indices = @transform_5, window_bounds = array<i64: 1, 128>}, {pipeline_mode = #tpu.pipeline_mode<synchronous>, transform_indices = @transform_6, window_bounds = array<i64: 128, 128>}, {pipeline_mode = #tpu.pipeline_mode<synchronous>, transform_indices = @transform_7, window_bounds = array<i64: 1, 128>}, {transform_indices = @transform_8, window_bounds = array<i64: 3200, 128>}]} {
    %get3A = arith.constant 0 : index
    %get3A_0 = arith.constant 0 : index
    %get3A_1 = vector.load %arg1[%get3A, %get3A_0] : memref<3200x50xf32, #tpu.memory_space<vmem>>, vector<3200x50xf32>
    %get3A_2 = arith.constant 0 : index
    %get3A_3 = arith.constant 0 : index
    %get3A_4 = arith.constant 0 : index
    %get3A_5 = vector.load %arg3[%get3A_2, %get3A_3, %get3A_4] : memref<1x25x128xf32, #tpu.memory_space<vmem>>, vector<1x25x128xf32>
    %get3A_6 = vector.shape_cast %get3A_5 : vector<1x25x128xf32> to vector<25x128xf32>
    %get3A_7 = arith.constant 0 : index
    %get3A_8 = arith.constant 0 : index
    %get3A_9 = vector.load %arg5[%get3A_7, %get3A_8] : memref<50x128xf32, #tpu.memory_space<vmem>>, vector<50x128xf32>
    %get3A_10 = arith.constant 0 : index
    %get3A_11 = arith.constant 0 : index
    %get3A_12 = vector.load %arg6[%get3A_10, %get3A_11] : memref<1x128xf32, #tpu.memory_space<vmem>>, vector<1x128xf32>
    %get3A_13 = arith.constant 0 : index
    %get3A_14 = arith.constant 0 : index
    %get3A_15 = vector.load %arg7[%get3A_13, %get3A_14] : memref<128x128xf32, #tpu.memory_space<vmem>>, vector<128x128xf32>
    %get3A_16 = arith.constant 0 : index
    %get3A_17 = arith.constant 0 : index
    %get3A_18 = vector.load %arg8[%get3A_16, %get3A_17] : memref<1x128xf32, #tpu.memory_space<vmem>>, vector<1x128xf32>
    %dot_general3A = arith.constant dense<0.000000e+00> : vector<3200x128xf32>
    %dot_general3A_19 = tpu.matmul %get3A_1, %get3A_9, %dot_general3A {dimension_numbers = #tpu.dot_dimension_numbers<[1], [0], [0], [1], [0, 0, 1, 1], [], []>, transpose_lhs_hint = false} : vector<3200x50xf32>, vector<50x128xf32>, vector<3200x128xf32> -> vector<3200x128xf32>
    %add3A = vector.broadcast %get3A_12 : vector<1x128xf32> to vector<3200x128xf32>
    %add3A_20 = arith.addf %dot_general3A_19, %add3A : vector<3200x128xf32>
    %custom_jvp_call3A = arith.constant 0.000000e+00 : f32
    %max3A = vector.broadcast %custom_jvp_call3A : f32 to vector<3200x128xf32>
    %max3A_21 = arith.maximumf %add3A_20, %max3A : vector<3200x128xf32>
    %sub3A = vector.broadcast %custom_jvp_call3A : f32 to vector<3200x128xf32>
    %sub3A_22 = arith.subf %add3A_20, %sub3A : vector<3200x128xf32>
    %ne3A = arith.cmpf one, %sub3A_22, %sub3A_22 : vector<3200x128xf32>
    %add3A_23 = vector.broadcast %custom_jvp_call3A : f32 to vector<3200x128xf32>
    %add3A_24 = arith.addf %add3A_20, %add3A_23 : vector<3200x128xf32>
    %abs3A = math.absf %sub3A_22 : vector<3200x128xf32>
    %neg3A = arith.constant 0.000000e+00 : f32
    %neg3A_25 = vector.broadcast %neg3A : f32 to vector<3200x128xf32>
    %neg3A_26 = arith.subf %neg3A_25, %abs3A : vector<3200x128xf32>
    %exp3A = math.exp %neg3A_26 : vector<3200x128xf32>
    %log1p3A = math.log1p %exp3A : vector<3200x128xf32>
    %add3A_27 = arith.addf %max3A_21, %log1p3A : vector<3200x128xf32>
    %select_n3A = arith.select %ne3A, %add3A_24, %add3A_27 : vector<3200x128xi1>, vector<3200x128xf32>
    %sub3A_28 = arith.constant 0.693147182 : f32
    %sub3A_29 = vector.broadcast %sub3A_28 : f32 to vector<3200x128xf32>
    %sub3A_30 = arith.subf %select_n3A, %sub3A_29 : vector<3200x128xf32>
    %dot_general3A_31 = arith.constant dense<0.000000e+00> : vector<3200x128xf32>
    %dot_general3A_32 = tpu.matmul %sub3A_30, %get3A_15, %dot_general3A_31 {dimension_numbers = #tpu.dot_dimension_numbers<[1], [0], [0], [1], [0, 0, 1, 1], [], []>, transpose_lhs_hint = false} : vector<3200x128xf32>, vector<128x128xf32>, vector<3200x128xf32> -> vector<3200x128xf32>
    %add3A_33 = vector.broadcast %get3A_18 : vector<1x128xf32> to vector<3200x128xf32>
    %add3A_34 = arith.addf %dot_general3A_32, %add3A_33 : vector<3200x128xf32>
    %mul3A = arith.constant 0.628318548 : f32
    %mul3A_35 = vector.broadcast %mul3A : f32 to vector<25x128xf32>
    %mul3A_36 = arith.mulf %get3A_6, %mul3A_35 : vector<25x128xf32>
    %cos3A = math.cos %mul3A_36 : vector<25x128xf32>
    %add3A_37 = arith.constant 1.000000e+00 : f32
    %add3A_38 = vector.broadcast %add3A_37 : f32 to vector<25x128xf32>
    %add3A_39 = arith.addf %cos3A, %add3A_38 : vector<25x128xf32>
    %mul3A_40 = arith.constant 5.000000e-01 : f32
    %mul3A_41 = vector.broadcast %mul3A_40 : f32 to vector<25x128xf32>
    %mul3A_42 = arith.mulf %mul3A_41, %add3A_39 : vector<25x128xf32>
    %lt3A = arith.constant 5.000000e+00 : f32
    %lt3A_43 = vector.broadcast %lt3A : f32 to vector<25x128xf32>
    %lt3A_44 = arith.cmpf olt, %get3A_6, %lt3A_43 : vector<25x128xf32>
    %jit3A = arith.constant 0.000000e+00 : f32
    %broadcast_in_dim3A = vector.broadcast %jit3A : f32 to vector<25x128xf32>
    %select_n3A_45 = arith.select %lt3A_44, %mul3A_42, %broadcast_in_dim3A : vector<25x128xi1>, vector<25x128xf32>
    %broadcast_in_dim3A_46 = vector.shape_cast %select_n3A_45 : vector<25x128xf32> to vector<25x128x1xf32>
    %broadcast_in_dim3A_47 = vector.broadcast %broadcast_in_dim3A_46 : vector<25x128x1xf32> to vector<25x128x128xf32>
    %reshape3A = vector.shape_cast %add3A_34 : vector<3200x128xf32> to vector<25x128x128xf32>
    %mul3A_48 = arith.mulf %reshape3A, %broadcast_in_dim3A_47 : vector<25x128x128xf32>
    %reshape3A_49 = vector.shape_cast %mul3A_48 : vector<25x128x128xf32> to vector<3200x128xf32>
    %get3A_50 = arith.constant 0 : index
    %get3A_51 = arith.constant 0 : index
    %get3A_52 = vector.load %arg2[%get3A_50, %get3A_51] : memref<3200x50xf32, #tpu.memory_space<vmem>>, vector<3200x50xf32>
    %get3A_53 = arith.constant 0 : index
    %get3A_54 = arith.constant 0 : index
    %get3A_55 = arith.constant 0 : index
    %get3A_56 = vector.load %arg4[%get3A_53, %get3A_54, %get3A_55] : memref<1x25x128xf32, #tpu.memory_space<vmem>>, vector<1x25x128xf32>
    %get3A_57 = vector.shape_cast %get3A_56 : vector<1x25x128xf32> to vector<25x128xf32>
    %get3A_58 = arith.constant 0 : index
    %get3A_59 = arith.constant 0 : index
    %get3A_60 = vector.load %arg5[%get3A_58, %get3A_59] : memref<50x128xf32, #tpu.memory_space<vmem>>, vector<50x128xf32>
    %get3A_61 = arith.constant 0 : index
    %get3A_62 = arith.constant 0 : index
    %get3A_63 = vector.load %arg6[%get3A_61, %get3A_62] : memref<1x128xf32, #tpu.memory_space<vmem>>, vector<1x128xf32>
    %get3A_64 = arith.constant 0 : index
    %get3A_65 = arith.constant 0 : index
    %get3A_66 = vector.load %arg7[%get3A_64, %get3A_65] : memref<128x128xf32, #tpu.memory_space<vmem>>, vector<128x128xf32>
    %get3A_67 = arith.constant 0 : index
    %get3A_68 = arith.constant 0 : index
    %get3A_69 = vector.load %arg8[%get3A_67, %get3A_68] : memref<1x128xf32, #tpu.memory_space<vmem>>, vector<1x128xf32>
    %dot_general3A_70 = arith.constant dense<0.000000e+00> : vector<3200x128xf32>
    %dot_general3A_71 = tpu.matmul %get3A_52, %get3A_60, %dot_general3A_70 {dimension_numbers = #tpu.dot_dimension_numbers<[1], [0], [0], [1], [0, 0, 1, 1], [], []>, transpose_lhs_hint = false} : vector<3200x50xf32>, vector<50x128xf32>, vector<3200x128xf32> -> vector<3200x128xf32>
    %add3A_72 = vector.broadcast %get3A_63 : vector<1x128xf32> to vector<3200x128xf32>
    %add3A_73 = arith.addf %dot_general3A_71, %add3A_72 : vector<3200x128xf32>
    %custom_jvp_call3A_74 = arith.constant 0.000000e+00 : f32
    %max3A_75 = vector.broadcast %custom_jvp_call3A_74 : f32 to vector<3200x128xf32>
    %max3A_76 = arith.maximumf %add3A_73, %max3A_75 : vector<3200x128xf32>
    %sub3A_77 = vector.broadcast %custom_jvp_call3A_74 : f32 to vector<3200x128xf32>
    %sub3A_78 = arith.subf %add3A_73, %sub3A_77 : vector<3200x128xf32>
    %ne3A_79 = arith.cmpf one, %sub3A_78, %sub3A_78 : vector<3200x128xf32>
    %add3A_80 = vector.broadcast %custom_jvp_call3A_74 : f32 to vector<3200x128xf32>
    %add3A_81 = arith.addf %add3A_73, %add3A_80 : vector<3200x128xf32>
    %abs3A_82 = math.absf %sub3A_78 : vector<3200x128xf32>
    %neg3A_83 = arith.constant 0.000000e+00 : f32
    %neg3A_84 = vector.broadcast %neg3A_83 : f32 to vector<3200x128xf32>
    %neg3A_85 = arith.subf %neg3A_84, %abs3A_82 : vector<3200x128xf32>
    %exp3A_86 = math.exp %neg3A_85 : vector<3200x128xf32>
    %log1p3A_87 = math.log1p %exp3A_86 : vector<3200x128xf32>
    %add3A_88 = arith.addf %max3A_76, %log1p3A_87 : vector<3200x128xf32>
    %select_n3A_89 = arith.select %ne3A_79, %add3A_81, %add3A_88 : vector<3200x128xi1>, vector<3200x128xf32>
    %sub3A_90 = arith.constant 0.693147182 : f32
    %sub3A_91 = vector.broadcast %sub3A_90 : f32 to vector<3200x128xf32>
    %sub3A_92 = arith.subf %select_n3A_89, %sub3A_91 : vector<3200x128xf32>
    %dot_general3A_93 = arith.constant dense<0.000000e+00> : vector<3200x128xf32>
    %dot_general3A_94 = tpu.matmul %sub3A_92, %get3A_66, %dot_general3A_93 {dimension_numbers = #tpu.dot_dimension_numbers<[1], [0], [0], [1], [0, 0, 1, 1], [], []>, transpose_lhs_hint = false} : vector<3200x128xf32>, vector<128x128xf32>, vector<3200x128xf32> -> vector<3200x128xf32>
    %add3A_95 = vector.broadcast %get3A_69 : vector<1x128xf32> to vector<3200x128xf32>
    %add3A_96 = arith.addf %dot_general3A_94, %add3A_95 : vector<3200x128xf32>
    %mul3A_97 = arith.constant 0.628318548 : f32
    %mul3A_98 = vector.broadcast %mul3A_97 : f32 to vector<25x128xf32>
    %mul3A_99 = arith.mulf %get3A_57, %mul3A_98 : vector<25x128xf32>
    %cos3A_100 = math.cos %mul3A_99 : vector<25x128xf32>
    %add3A_101 = arith.constant 1.000000e+00 : f32
    %add3A_102 = vector.broadcast %add3A_101 : f32 to vector<25x128xf32>
    %add3A_103 = arith.addf %cos3A_100, %add3A_102 : vector<25x128xf32>
    %mul3A_104 = arith.constant 5.000000e-01 : f32
    %mul3A_105 = vector.broadcast %mul3A_104 : f32 to vector<25x128xf32>
    %mul3A_106 = arith.mulf %mul3A_105, %add3A_103 : vector<25x128xf32>
    %lt3A_107 = arith.constant 5.000000e+00 : f32
    %lt3A_108 = vector.broadcast %lt3A_107 : f32 to vector<25x128xf32>
    %lt3A_109 = arith.cmpf olt, %get3A_57, %lt3A_108 : vector<25x128xf32>
    %jit3A_110 = arith.constant 0.000000e+00 : f32
    %broadcast_in_dim3A_111 = vector.broadcast %jit3A_110 : f32 to vector<25x128xf32>
    %select_n3A_112 = arith.select %lt3A_109, %mul3A_106, %broadcast_in_dim3A_111 : vector<25x128xi1>, vector<25x128xf32>
    %broadcast_in_dim3A_113 = vector.shape_cast %select_n3A_112 : vector<25x128xf32> to vector<25x128x1xf32>
    %broadcast_in_dim3A_114 = vector.broadcast %broadcast_in_dim3A_113 : vector<25x128x1xf32> to vector<25x128x128xf32>
    %reshape3A_115 = vector.shape_cast %add3A_96 : vector<3200x128xf32> to vector<25x128x128xf32>
    %mul3A_116 = arith.mulf %reshape3A_115, %broadcast_in_dim3A_114 : vector<25x128x128xf32>
    %reshape3A_117 = vector.shape_cast %mul3A_116 : vector<25x128x128xf32> to vector<3200x128xf32>
    %bitcast_convert_type3A = tpu.bitcast %reshape3A_49 : vector<3200x128xf32> -> vector<3200x128xi32>
    %shift_right_logical3A = arith.constant 16 : i32
    %shift_right_logical3A_118 = vector.broadcast %shift_right_logical3A : i32 to vector<3200x128xi32>
    %shift_right_logical3A_119 = arith.shrui %bitcast_convert_type3A, %shift_right_logical3A_118 : vector<3200x128xi32>
    %and3A = arith.constant 1 : i32
    %and3A_120 = vector.broadcast %and3A : i32 to vector<3200x128xi32>
    %and3A_121 = arith.andi %shift_right_logical3A_119, %and3A_120 : vector<3200x128xi32>
    %add3A_122 = arith.addi %bitcast_convert_type3A, %and3A_121 : vector<3200x128xi32>
    %add3A_123 = arith.constant 32767 : i32
    %add3A_124 = vector.broadcast %add3A_123 : i32 to vector<3200x128xi32>
    %add3A_125 = arith.addi %add3A_122, %add3A_124 : vector<3200x128xi32>
    %shift_right_logical3A_126 = arith.constant 16 : i32
    %shift_right_logical3A_127 = vector.broadcast %shift_right_logical3A_126 : i32 to vector<3200x128xi32>
    %shift_right_logical3A_128 = arith.shrui %add3A_125, %shift_right_logical3A_127 : vector<3200x128xi32>
    %bitcast_convert_type3A_129 = tpu.bitcast %reshape3A_117 : vector<3200x128xf32> -> vector<3200x128xi32>
    %shift_right_logical3A_130 = arith.constant 16 : i32
    %shift_right_logical3A_131 = vector.broadcast %shift_right_logical3A_130 : i32 to vector<3200x128xi32>
    %shift_right_logical3A_132 = arith.shrui %bitcast_convert_type3A_129, %shift_right_logical3A_131 : vector<3200x128xi32>
    %and3A_133 = arith.constant 1 : i32
    %and3A_134 = vector.broadcast %and3A_133 : i32 to vector<3200x128xi32>
    %and3A_135 = arith.andi %shift_right_logical3A_132, %and3A_134 : vector<3200x128xi32>
    %add3A_136 = arith.addi %bitcast_convert_type3A_129, %and3A_135 : vector<3200x128xi32>
    %add3A_137 = arith.constant 32767 : i32
    %add3A_138 = vector.broadcast %add3A_137 : i32 to vector<3200x128xi32>
    %add3A_139 = arith.addi %add3A_136, %add3A_138 : vector<3200x128xi32>
    %and3A_140 = arith.constant -65536 : i32
    %and3A_141 = vector.broadcast %and3A_140 : i32 to vector<3200x128xi32>
    %and3A_142 = arith.andi %add3A_139, %and3A_141 : vector<3200x128xi32>
    %or3A = arith.ori %shift_right_logical3A_128, %and3A_142 : vector<3200x128xi32>
    %swap3A = arith.constant 0 : index
    %swap3A_143 = arith.constant 0 : index
    %swap3A_144 = vector.load %arg9[%swap3A, %swap3A_143] : memref<3200x128xi32, #tpu.memory_space<vmem>>, vector<3200x128xi32>
    tpu.vector_store %arg9[%swap3A, %swap3A_143], %or3A {strides = array<i32>} : memref<3200x128xi32, #tpu.memory_space<vmem>>, vector<3200x128xi32>,
    return
  }
  func.func @transform_0(%arg0: i32) -> (i32, i32) {
    %c0_i32 = arith.constant 0 : i32
    %c0_i32_0 = arith.constant 0 : i32
    return %arg0, %c0_i32 : i32, i32
  }
  func.func @transform_1(%arg0: i32) -> (i32, i32) {
    %add3A = arith.constant 50 : i32
    %add3A_0 = arith.addi %arg0, %add3A : i32
    %c0_i32 = arith.constant 0 : i32
    %c0_i32_1 = arith.constant 0 : i32
    return %add3A_0, %c0_i32 : i32, i32
  }
  func.func @transform_2(%arg0: i32) -> (i32, i32, i32) {
    %c0_i32 = arith.constant 0 : i32
    %c0_i32_0 = arith.constant 0 : i32
    %c0_i32_1 = arith.constant 0 : i32
    return %arg0, %c0_i32, %c0_i32_0 : i32, i32, i32
  }
  func.func @transform_3(%arg0: i32) -> (i32, i32, i32) {
    %add3A = arith.constant 50 : i32
    %add3A_0 = arith.addi %arg0, %add3A : i32
    %c0_i32 = arith.constant 0 : i32
    %c0_i32_1 = arith.constant 0 : i32
    %c0_i32_2 = arith.constant 0 : i32
    return %add3A_0, %c0_i32, %c0_i32_1 : i32, i32, i32
  }
  func.func @transform_4(%arg0: i32) -> (i32, i32) {
    %c0_i32 = arith.constant 0 : i32
    %c0_i32_0 = arith.constant 0 : i32
    %c0_i32_1 = arith.constant 0 : i32
    return %c0_i32, %c0_i32_0 : i32, i32
  }
  func.func @transform_5(%arg0: i32) -> (i32, i32) {
    %c0_i32 = arith.constant 0 : i32
    %c0_i32_0 = arith.constant 0 : i32
    %c0_i32_1 = arith.constant 0 : i32
    return %c0_i32, %c0_i32_0 : i32, i32
  }
  func.func @transform_6(%arg0: i32) -> (i32, i32) {
    %c0_i32 = arith.constant 0 : i32
    %c0_i32_0 = arith.constant 0 : i32
    %c0_i32_1 = arith.constant 0 : i32
    return %c0_i32, %c0_i32_0 : i32, i32
  }
  func.func @transform_7(%arg0: i32) -> (i32, i32) {
    %c0_i32 = arith.constant 0 : i32
    %c0_i32_0 = arith.constant 0 : i32
    %c0_i32_1 = arith.constant 0 : i32
    return %c0_i32, %c0_i32_0 : i32, i32
  }
  func.func @transform_8(%arg0: i32) -> (i32, i32) {
    %c0_i32 = arith.constant 0 : i32
    %c0_i32_0 = arith.constant 0 : i32
    return %arg0, %c0_i32 : i32, i32
  }
}

</mosaic_0001>

<sc_bundles>
// kernel: kernel.6.cloned.1.call-start
scs
__scs_entry_jumppad:
0x0: {  	(pc) =	sbr.rel $0x88, $3  }
0x1: {  	(tag) =	ssettag $0x0;
	lr =	simm.s32 $0x1  }
0x2: {  	[smem:$0x3F93] =	sst lr;
	_ =	strace $0xD0000000  }
0x3: {  	_ = 	snop  }
0x4: {  	_ = 	snop  }
0x5: {  	_ = 	snop  }
0x6: {  	_ = 	snop  }
0x7: {  	_ = 	snop  }
__scs_overlays_trampoline_lowered:
0x8: {  	[smem:$0x3FA2] =	sst s0  }
0x9: {  	[smem:$0x3FA3] =	sst s1  }
0xa: {  	[smem:$0x3FA4] =	sst s2  }
0xb: {  	[smem:$0x3FA5] =	sst s3  }
0xc: {  	[smem:$0x3FA6] =	sst s4  }
0xd: {  	[smem:$0x3FA7] =	sst s5  }
0xe: {  	[smem:$0x3FA8] =	sst s6  }
0xf: {  	[smem:$0x3FA9] =	sst s7  }
0x10: {  	[smem:$0x3FAA] =	sst s8  }
0x11: {  	[smem:$0x3FAB] =	sst s9;
	s0 =	simm.s32 @!p0 $0x0  }
0x12: {  	s1 =	sld [smem:$0x3F91];
	s0 =	simm.s32 @p0 $0x1  }
0x13: {  	[smem:$0x3FAC] =	sst s0;
	s0 =	simm.s32 @!p1 $0x0  }
0x14: {  	s2 =	sld [smem:$0x3F90];
	s0 =	simm.s32 @p1 $0x1  }
0x15: {  	[smem:$0x3FAD] =	sst s0;
	s0 =	simm.s32 @!p2 $0x0  }
0x16: {  	s3 =	sld [smem:$0x3FDB];
	s0 =	simm.s32 @p2 $0x1  }
0x17: {  	s4 =	simm.s32 $0x1BF5;
	[smem:$0x3FAF] =	sst s0  }
0x18: {  	s0 =	sld [smem:$0x3F92];
	_ =	swait.ge [sflag:s4], $0x0  }
0x19: {  	s7 =	sld [smem:$0x3F93]  }
0x1a: {  	s8 =	sadd.s32 $0xFFFFE003, lr  }
0x1b: {  	s9 =	sadd.s32 $0xFFFFFEF7, lr;
	s5 =	simm.s32 $0xFFFFFFFF;
	p2 =	slt.u32 s8, $0xFFFFF086  }
0x1c: {  	p1 =	slt.u32 s9, $0xF7A;
	s5 =	simm.s32 @!p2 $0x0  }
0x1d: {  	s5 =	simm.s32 @p1 $0x1;
	p0 =	seq.s32 s7, s2  }
0x1e: {  	s7 =	smul.u32 @!p0 $0xF7A, s2;
	p2 =	seq.s32 @!p0 s5, $0x0  }
0x1f: {  	s9 =	smul.u32 $0xF7A, s1;
	s8 =	simm.s32 @!p0 $0x1BF5;
	p2 =	por !p2, p0  }
0x20: {  	[sflag:s8] =	ssyncset.s32 @!p0 $0xFFFFF086;
	s6 =	sadd.s32 @!p0 s3, s7;
	s7 =	simm.s32 @!p0 $0x108  }
0x21: {  	s3 =	sadd.s32 s3, s9;
	s6 =	sadd.s32 @!p0 $0x88, s6;
	s7 =	simm.s32 @p2 $0x1082  }
0x22: {  	[simem:s7], [sflag:s8] =	dma.local @!p0 [hbm:s6], $0xF7A  }
0x23: {  	s9 =	sor.u32 $0xD0000000, s2;
	s6 =	simm.s32 $0x108;
	_ =	swait.ge @!p0 [sflag:s8], $0x0  }
0x24: {  	s3 =	sadd.s32 $0x88, s3;
	s6 =	simm.s32 @!p1 $0x1082;
	[sflag:s4] =	ssyncset.s32 $0xFFFFF086  }
0x25: {  	[simem:s6], [sflag:s4] =	dma.local [hbm:s3], $0xF7A  }
0x26: {  	[smem:$0x3F93] =	sst s1;
	(tag) =	ssettag s2;
	_ =	strace s9  }
0x27: {  	s1 =	sld [smem:$0x3FA3]  }
0x28: {  	s2 =	sld [smem:$0x3FA4]  }
0x29: {  	s4 =	sld [smem:$0x3FA6]  }
0x2a: {  	p0 =	seq.s32 s5, $0x0;
	s5 =	sld [smem:$0x3FA7]  }
0x2b: {  	s6 =	sld [smem:$0x3FA8]  }
0x2c: {  	s7 =	sld [smem:$0x3FA9]  }
0x2d: {  	s3 =	simm.s32 $0x108;
	s8 =	sld [smem:$0x3FAA]  }
0x2e: {  	s3 =	simm.s32 @!p0 $0x1082;
	s9 =	sld [smem:$0x3FAB]  }
0x2f: {  	lr =	sadd.s32 s0, s3;
	s0 =	sld [smem:$0x3FA2]  }
0x30: {  	s3 =	sld [smem:$0x3FA5]  }
0x31: {  	[smem:$0x3FAE] =	sst s10  }
0x32: {  	s10 =	sld [smem:$0x3FAC];
	_ =	sdelay $0x3  }
0x33: {  	p0 =	seq.s32 s10, $0x1;
	s10 =	sld [smem:$0x3FAE];
	_ =	sdelay $0x3  }
0x34: {  	[smem:$0x3FAE] =	sst s10  }
0x35: {  	s10 =	sld [smem:$0x3FAD];
	_ =	sdelay $0x3  }
0x36: {  	p1 =	seq.s32 s10, $0x1;
	s10 =	sld [smem:$0x3FAE];
	_ =	sdelay $0x3  }
0x37: {  	[smem:$0x3FAE] =	sst s10  }
0x38: {  	s10 =	sld [smem:$0x3FAF]  }
0x39: {  	_ = 	snop;
	(pc) =	sbr.ind lr, $3  }
0x3a: {  	_ = 	snop  }
0x3b: {  	_ = 	snop  }
0x3c: {  	p2 =	seq.s32 s10, $0x1;
	s10 =	sld [smem:$0x3FAE]  }
0x3d: {  	_ =	shalt  }
0x3e: {  	_ =	shalt  }
0x3f: {  	_ =	shalt  }
0x40: {  	_ =	shalt  }
0x41: {  	_ =	shalt  }
0x42: {  	_ =	shalt  }
0x43: {  	_ =	shalt  }
0x44: {  	_ =	shalt  }
0x45: {  	_ =	shalt  }
0x46: {  	_ =	shalt  }
0x47: {  	_ =	shalt  }
0x48: {  	_ =	shalt  }
0x49: {  	_ =	shalt  }
0x4a: {  	_ =	shalt  }
0x4b: {  	_ =	shalt  }
0x4c: {  	_ =	shalt  }
0x4d: {  	_ =	shalt  }
0x4e: {  	_ =	shalt  }
0x4f: {  	_ =	shalt  }
0x50: {  	_ =	shalt  }
0x51: {  	_ =	shalt  }
0x52: {  	_ =	shalt  }
0x53: {  	_ =	shalt  }
0x54: {  	_ =	shalt  }
0x55: {  	_ =	shalt  }
0x56: {  	_ =	shalt  }
0x57: {  	_ =	shalt  }
0x58: {  	_ =	shalt  }
0x59: {  	_ =	shalt  }
0x5a: {  	_ =	shalt  }
0x5b: {  	_ =	shalt  }
0x5c: {  	_ =	shalt  }
0x5d: {  	_ =	shalt  }
0x5e: {  	_ =	shalt  }
0x5f: {  	_ =	shalt  }
0x60: {  	_ =	shalt  }
0x61: {  	_ =	shalt  }
0x62: {  	_ =	shalt  }
0x63: {  	_ =	shalt  }
0x64: {  	_ =	shalt  }
0x65: {  	_ =	shalt  }
0x66: {  	_ =	shalt  }
0x67: {  	_ =	shalt  }
0x68: {  	_ =	shalt  }
0x69: {  	_ =	shalt  }
0x6a: {  	_ =	shalt  }
0x6b: {  	_ =	shalt  }
0x6c: {  	_ =	shalt  }
0x6d: {  	_ =	shalt  }
0x6e: {  	_ =	shalt  }
0x6f: {  	_ =	shalt  }
0x70: {  	_ =	shalt  }
0x71: {  	_ =	shalt  }
0x72: {  	_ =	shalt  }
0x73: {  	_ =	shalt  }
0x74: {  	_ =	shalt  }
0x75: {  	_ =	shalt  }
0x76: {  	_ =	shalt  }
0x77: {  	_ =	shalt  }
0x78: {  	_ =	shalt  }
0x79: {  	_ =	shalt  }
0x7a: {  	_ =	shalt  }
0x7b: {  	_ =	shalt  }
0x7c: {  	_ =	shalt  }
0x7d: {  	_ =	shalt  }
0x7e: {  	_ =	shalt  }
0x7f: {  	_ =	shalt  }
0x80: {  	_ =	shalt  }
0x81: {  	_ =	shalt  }
0x82: {  	_ =	shalt  }
0x83: {  	_ =	shalt  }
0x84: {  	_ =	shalt  }
0x85: {  	_ =	shalt  }
0x86: {  	_ =	shalt  }
0x87: {  	_ =	shalt  }
.Lfunc_end0:
.L_simem_size_0:
called_computation_lowered:
.L_overlay_start_0:
0x88: {  	s2 =	sld [smem:$0x3FD9]  }
0x89: {  	s3 =	sld [smem:$0x3FFE];
	_ =	sdelay $0x1  }
0x8a: {  	s1 =	srdreg.scid  }
0x8b: {  	s0 =	sand.u32 $0x1, s1  }
0x8c: {  	s17 =	sshll.u32 s0, $0xA;
	s2 =	sadd.s32 s3, s2  }
0x8d: {  	s2 =	sadd.s32 s2, s17  }
0x8e: {  	[smem:$0x3FBA] =	sst s2  }
0x8f: {  	_ = 	snop  }
0x90: {  	s2 =	sld [smem:$0x3FC6]  }
0x91: {  	s18 =	sld [smem:$0x3FC5]  }
0x92: {  	s4 =	sld [smem:$0x3FD0];
	(tm) =	ssettm $0x1  }
0x93: {  	s5 =	sld [smem:$0x3FFB];
	_ =	sdelay $0x3  }
0x94: {  	_ =	strace s5  }
0x95: {  	s5 =	sld [smem:$0x3FFC];
	_ =	sdelay $0x3  }
0x96: {  	_ =	strace s5  }
0x97: {  	s5 =	sld [smem:$0x3FFD];
	_ =	sdelay $0x3  }
0x98: {  	_ =	strace s5  }
0x99: {  	_ =	strace $0x8FFFFFFF  }
0x9a: {  	s19 =	sld [smem:$0x3FDB];
	_ =	sdelay $0x1  }
0x9b: {  	s6 =	simm.s32 $_scs_section_size  }
0x9c: {  	s7 =	simm.s32 $_size__tile_overlayer_lowered;
	s8 =	simm.s32 $_tile_overlayer_lowered  }
0x9d: {  	s22 =	simm.s32 $0x1BFF;
	s21 =	sshll.u32 s8, $0x1;
	s5 =	sadd.s32 s6, s19  }
0x9e: {  	s9 =	simm.s32 $0x0;
	s20 =	sshll.u32 s7, $0x1;
	s7 =	sadd.s32 s21, s5  }
0x9f: {  	[timem:s9], [sflag:s22] =	dma.local [hbm:s7], s20  }
0xa0: {  	_ =	swait.ge [sflag:s22], s20  }
0xa1: {  	s6 =	ssub.s32 $0x0, s20;
	[sflag:s22] =	ssyncset.done $0x0  }
0xa2: {  	[sflag:s22] =	ssyncadd.s32 s6;
	_ =	sdelay $0x1  }
0xa3: {  	s23 =	simm.s32 $0x1B8B  }
0xa4: {  	_ =	swait.ge [sflag:s23], $0x1  }
0xa5: {  	[sflag:s23] =	ssyncset.done $0x0  }
0xa6: {  	s25 =	simm.s32 $0x1B8E;
	s24 =	sld [smem:$0x3FFE];
	[sflag:s23] =	ssyncadd.s32 $0xFFFFFFFF  }
0xa7: {  	s26 =	simm.s32 $execute0_lowered;
	[smem:$0x3FD2] =	sst s25  }
0xa8: {  	s7 =	sshll.u32 s26, $0x1;
	_ =	strace $0x80000046;
	[dreg:$0x1] =	wrdreg $0xFFFFFFFF  }
0xa9: {  	s28 =	simm.s32 $_size_execute0_lowered;
	s5 =	sadd.s32 s5, s7;
	[dreg:$0x0] =	wrdreg $0x0  }
0xaa: {  	s7 =	sshll.u32 s28, $0x1;
	[dreg:$0x2] =	wrdreg s5  }
0xab: {  	[dreg:$0x3] =	wrdreg s7  }
0xac: {  	[dreg:$0x4] =	wrdreg $0xC0  }
0xad: {  	_ =	task [dreg:s9], $0x5FFFF  }
0xae: {  	[dreg:$0x1] =	wrdreg $0xFFFFFFFF  }
0xaf: {  	[dreg:$0x0] =	wrdreg $0x60  }
0xb0: {  	[dreg:$0x2] =	wrdreg s4  }
0xb1: {  	[dreg:$0x3] =	wrdreg s24  }
0xb2: {  	[dreg:$0x4] =	wrdreg s2  }
0xb3: {  	[dreg:$0x5] =	wrdreg s18  }
0xb4: {  	[dreg:$0x6] =	wrdreg $0x0  }
0xb5: {  	[dreg:$0x7] =	wrdreg $0x9  }
0xb6: {  	_ =	task.clear_ibuf [dreg:s9], $0x8FFFF;
	_ =	strace $0x90000046  }
0xb7: {  	s29 =	simm.s32 $0x9;
	_ =	strace $0x80000048  }
0xb8: {  	_ =	swait.ge [sflag:s29], $0x1  }
0xb9: {  	[sflag:s29] =	ssyncadd.s32 $0xFFFFFFFF  }
0xba: {  	_ =	strace $0x90000048  }
0xbb: {  	_ =	sfence  }
0xbc: {  	s30 =	sld [smem:$0x0];
	_ =	sdelay $0x2  }
0xbd: {  	s31 =	sshll.u32 s1, $0xD;
	s1 =	sshrl.u32 s1, $0x2  }
0xbe: {  	s3 =	sand.u32 $0x4000, s31;
	s1 =	sadd.s32 s1, s30  }
0xbf: {  	s0 =	sor.u32 s3, s0;
	s1 =	sshll.u32 s1, $0x11  }
0xc0: {  	s0 =	sor.u32 s1, s0  }
0xc1: {  	s0 =	sadd.s32 $0x8F2B, s0  }
0xc2: {  	[sflag:s0] =	ssyncadd.remote.s32 $0x1  }
0xc3: {  	_ =	sfence.sel $0xFFFF  }
0xc4: {  	[dreg:$0x0] =	wrdreg $0xFFFFFFFF;
	(pc) =	sbr.abs _section_cstart, $3  }
0xc5: {  	[dreg:$0x1] =	wrdreg $0xFFFFFFFF  }
0xc6: {  	_ =	task.clear_ibuf [dreg:s9], $0x2FFFF;
	_ =	strace $0x9FFFFFFF  }
0xc7: {  	(tm) =	ssettm $0x7FFFFFFF  }
tec
execute0_lowered:
.L_overlay_start_1:
0x0: {  	(tag) =	ssettag $0x1  }
0x1: {  	s1 =	rddreg [dreg:$0x0]  }
0x2: {  	s0 =	rddreg [dreg:$0x1]  }
0x3: {  	s2 =	rddreg [dreg:$0x2]  }
0x4: {  	s4 =	rddreg [dreg:$0x3]  }
0x5: {  	s3 =	rddreg [dreg:$0x4];
	s5 =	srdreg.scid  }
0x6: {  	s7 =	simm.s32 $0x0;
	s15 =	stileid.u32;
	s28 =	simm.s32 $0x28  }
0x7: {  	s29 =	simm.s32 $0x16000;
	s30 =	simm.s32 $0x18800;
	s31 =	simm.s32 $0x1C400  }
0x8: {  	s5 =	sand.u32 $0x1, s5;
	[smem:$0x7FF] =	sst s7;
	s7 =	sadd.s32 $0x4E3A00, s0  }
0x9: {  	s9 =	sadd.s32 $0x1A00, s0;
	s12 =	smul.u32 $0x19000, s15;
	s0 =	sadd.s32 $0x2800, s0  }
0xa: {  	s17 =	sshll.u32 s15, $0x6;
	s22 =	smul.u32 $0x4E000, s15;
	p0 =	sgt.u32 s15, $0x1  }
0xb: {  	p1 =	sne.s32 s15, $0xF;
	s6 =	sshll.u32 s5, $0x4;
	_ =	strace $0x80000047  }
0xc: {  	[dreg:$0x6] =	wrdreg s9;
	s25 =	ssub.s32 $0x2, s5;
	s20 =	sor.u32 $0x1C0D, s17  }
0xd: {  	s5 =	smul.u32 $0x138800, s5;
	s17 =	simm.s32 $0x1D980;
	s8 =	sor.u32 s15, s6  }
0xe: {  	s10 =	sshrl.u32 s25, $0x1;
	s14 =	sshrl.u32 s12, $0x2;
	s6 =	smul.u32 $0x1388, s8  }
0xf: {  	[dreg:$0xa] =	wrdreg s20;
	s9 =	ssub.s32 s25, s10;
	s8 =	smul.u32 $0x13880, s8  }
0x10: {  	s16 =	sadd.s32 s14, s3;
	s14 =	smul.u32 $0x13800, s15;
	s15 =	simm.s32 $0x17400  }
0x11: {  	s18 =	sadd.s32 $0x64000, s16;
	s19 =	sadd.s32 $0xC8000, s16;
	[dreg:$0x9] =	wrdreg s16  }
0x12: {  	s25 =	smax.u32 s9, $0x1;
	s9 =	simm.s32 $0x1;
	s11 =	sshrl.u32 s6, $0x3  }
0x13: {  	s8 =	sadd.s32 s7, s8;
	s23 =	sadd.s32 s14, s5;
	s5 =	sshrl.u32 s5, $0x3  }
0x14: {  	[dreg:$0x10] =	wrdreg s25;
	s14 =	simm.s32 $0xB;
	s25 =	simm.s32 $0x9  }
0x15: {  	s26 =	sadd.s32 $0x4E20, s11;
	s13 =	sadd.s32 s4, s11;
	[dreg:$0xb] =	wrdreg s8  }
0x16: {  	s21 =	sadd.s32 s2, s11;
	s8 =	sshrl.u32 s22, $0x2;
	s5 =	sadd.s32 s0, s5  }
0x17: {  	s22 =	simm.s32 $0x6;
	s11 =	simm.s32 $0x0;
	[dreg:$0x7] =	wrdreg s13  }
0x18: {  	s4 =	sadd.s32 s4, s26;
	s13 =	sadd.s32 $0x12C000, s16;
	[dreg:$0xc] =	wrdreg s21  }
0x19: {  	s10 =	sadd.s32 s2, s26;
	s24 =	sadd.s32 s8, s3;
	s5 =	sadd.s32 $0x27000, s5  }
0x1a: {  	s26 =	sshrl.u32 s19, $0x3;
	s19 =	simm.s32 $0x19C00;
	[dreg:$0x8] =	wrdreg s4  }
0x1b: {  	s16 =	simm.s32 $0x1D880;
	s21 =	simm.s32 $0x4;
	[dreg:$0xd] =	wrdreg s10  }
0x1c: {  	s10 =	sshrl.u32 s23, $0x3;
	[dreg:$0xf] =	wrdreg s5;
	s5 =	sadd.s32 $0x138000, s3  }
0x1d: {  	s4 =	sshrl.u32 s18, $0x3;
	[dreg:$0x12] =	wrdreg s26;
	s18 =	simm.s32 $0x2  }
0x1e: {  	s23 =	simm.s32 $0xC;
	s0 =	sadd.s32 s0, s10;
	[dreg:$0x11] =	wrdreg s4  }
0x1f: {  	s4 =	sshrl.u32 @!p0 s13, $0x3;
	s10 =	simm.s32 $0x3;
	[dreg:$0xe] =	wrdreg s0  }
0x20: {  	s13 =	simm.s32 $0x5;
	[dreg:$0x13] =	wrdreg s4;
	s0 =	sshrl.u32 s24, $0x3  }
0x21: {  	s4 =	simm.s32 $0x1D900;
	[dreg:$0x14] =	wrdreg s0;
	s0 =	sshrl.u32 @!p1 s5, $0x3  }
0x22: {  	s24 =	simm.s32 $0x7;
	[dreg:$0x15] =	wrdreg s0;
	s0 =	simm.s32 $0x1D800  }
.LBB2_1:
0x23: {  	[dreg:$0x16] =	wrdreg s11  }
0x24: {  	s8 =	simm.s32 $0x0;
	s5 =	rddreg [dreg:$0x7];
	s12 =	simm.s32 $0x13880  }
0x25: {  	[tilespmem:s12], [sflag:$0xD] =	stream.linear.gather [hbm4b:s5+s8], $0x1388, $0x38;
	[tilespmem:$0x1DA00] =	vst v63  }
0x26: {  	s11 =	rddreg [dreg:$0x8];
	s26 =	simm.s32 $0x14C08  }
0x27: {  	[tilespmem:s26], [sflag:$0xD] =	stream.linear.gather [hbm4b:s11+s8], $0x1388, $0x38;
	[tilespmem:$0x1DA00] =	vst v63  }
0x28: {  	s11 =	rddreg [dreg:$0x9]  }
0x29: {  	s5 =	sshrl.u32 s11, $0x3;
	s11 =	rddreg [dreg:$0x6]  }
0x2a: {  	[spmem:s5], [sflag:s20] =	dma.local [hbm:s11], $0xC80  }
0x2b: {  	s5 =	rddreg [dreg:$0x11]  }
0x2c: {  	[spmem:s5], [sflag:s20] =	dma.local [hbm:s11], $0xC80  }
0x2d: {  	s5 =	rddreg [dreg:$0x12]  }
0x2e: {  	[spmem:s5], [sflag:s20] =	dma.local [hbm:s11], $0xC80  }
0x2f: {  	s5 =	rddreg [dreg:$0x13]  }
0x30: {  	[spmem:s5], [sflag:s20] =	dma.local @!p0 [hbm:s11], $0xC80  }
0x31: {  	s20 =	simm.s32 $0xD  }
0x32: {  	_ =	swait.ge [sflag:s20], $0x1388  }
0x33: {  	[sflag:s20] =	ssyncset.done $0x0  }
0x34: {  	[sflag:s20] =	ssyncadd.s32 $0xFFFFEC78  }
0x35: {  	_ =	swait.ge [sflag:s20], $0x1388  }
0x36: {  	[sflag:s20] =	ssyncset.done $0x0  }
0x37: {  	[sflag:s20] =	ssyncadd.s32 $0xFFFFEC78  }
0x38: {  	_ =	swait.ge [sflag:s20], $0xC80  }
0x39: {  	[sflag:s20] =	ssyncset.done $0x0  }
0x3a: {  	[sflag:s20] =	ssyncadd.s32 $0xFFFFF380  }
0x3b: {  	_ =	swait.ge [sflag:s20], $0xC80  }
0x3c: {  	[sflag:s20] =	ssyncset.done $0x0  }
0x3d: {  	[sflag:s20] =	ssyncadd.s32 $0xFFFFF380  }
0x3e: {  	_ =	swait.ge [sflag:s20], $0xC80  }
0x3f: {  	[sflag:s20] =	ssyncset.done $0x0  }
0x40: {  	s5 =	simm.s32 @!p0 $0xD;
	[sflag:s20] =	ssyncadd.s32 $0xFFFFF380  }
0x41: {  	_ =	swait.ge @!p0 [sflag:s5], $0xC80  }
0x42: {  	[sflag:s5] =	ssyncset.done @!p0 $0x0  }
0x43: {  	[sflag:s5] =	ssyncadd.s32 @!p0 $0xFFFFF380  }
0x44: {  	[bflag:$0x0] =	sbarrier.arrive $0xFFFF  }
0x45: {  	[tilespmem:s29], [sflag:$0x1] =	stream.indirect.gather [hbm4b:s1+s28], $0x80, s12, s28, $0xb8;
	[tilespmem:$0x1DA00] =	vst v63  }
0x46: {  	_ = 	snop  }
0x47: {  	[tilespmem:s30], [sflag:$0x3] =	stream.indirect.gather [hbm4b:s1+s28], $0x80, s26, s28, $0xb8;
	[tilespmem:$0x1DA00] =	vst v63  }
0x48: {  	s11 =	rddreg [dreg:$0xb];
	s12 =	simm.s32 $0x1B000  }
0x49: {  	[tilespmem:s12], [sflag:$0x5] =	stream.linear.gather [hbm4b:s11+s8], $0x1400, $0x38;
	[tilespmem:$0x1DA00] =	vst v63  }
0x4a: {  	s20 =	rddreg [dreg:$0xc]  }
0x4b: {  	[tilespmem:s0], [sflag:$0xB] =	stream.linear.gather [hbm4b:s20+s8], $0x28, $0x38;
	[tilespmem:$0x1DA00] =	vst v63  }
0x4c: {  	s5 =	simm.s32 $0x0;
	s26 =	rddreg [dreg:$0xd]  }
0x4d: {  	[tilespmem:s4], [sflag:$0xB] =	stream.linear.gather [hbm4b:s26+s8], $0x28, $0x38;
	[tilespmem:$0x1DA00] =	vst v63  }
.LBB2_2:
0x4e: {  	_ =	swait.ge [sflag:s9], $0x1400  }
0x4f: {  	[sflag:s9] =	ssyncset.done $0x0  }
0x50: {  	[sflag:s9] =	ssyncadd.s32 $0xFFFFEC00  }
0x51: {  	_ =	swait.ge [sflag:s10], $0x1400  }
0x52: {  	[sflag:s10] =	ssyncset.done $0x0  }
0x53: {  	[sflag:s10] =	ssyncadd.s32 $0xFFFFEC00  }
0x54: {  	_ =	swait.ge [sflag:s13], $0x1400  }
0x55: {  	[sflag:s13] =	ssyncset.done $0x0  }
0x56: {  	[sflag:s13] =	ssyncadd.s32 $0xFFFFEC00  }
0x57: {  	_ =	swait.ge [sflag:s14], $0x28  }
0x58: {  	[sflag:s14] =	ssyncset.done $0x0  }
0x59: {  	[sflag:s14] =	ssyncadd.s32 $0xFFFFFFD8  }
0x5a: {  	_ =	swait.ge [sflag:s14], $0x28  }
0x5b: {  	p2 =	seq.s32 s5, $0x0;
	[sflag:s14] =	ssyncset.done $0x0  }
0x5c: {  	s8 =	simm.s32 @!p2 $0x8;
	[sflag:s14] =	ssyncadd.s32 $0xFFFFFFD8  }
0x5d: {  	_ =	swait.ge @!p2 [sflag:s8], $0x1400  }
0x5e: {  	[sflag:s8] =	ssyncset.done @!p2 $0x0  }
0x5f: {  	s11 =	simm.s32 @!p2 $0xA;
	[sflag:s8] =	ssyncadd.s32 @!p2 $0xFFFFEC00  }
0x60: {  	s8 =	smul.u32 $0x50, s5;
	_ =	swait.ge @!p2 [sflag:s11], $0x1400  }
0x61: {  	[sflag:s11] =	ssyncset.done @!p2 $0x0  }
0x62: {  	s20 =	sadd.s32 $0x138A8, s8;
	s12 =	sadd.s32 s6, s8;
	[sflag:s11] =	ssyncadd.s32 @!p2 $0xFFFFEC00  }
0x63: {  	[tilespmem:s15], [sflag:$0x2] =	stream.indirect.gather [hbm4b:s1+s28], $0x80, s20, s28, $0xb8;
	[tilespmem:$0x1DA00] =	vst v63  }
0x64: {  	s26 =	sadd.s32 $0x14C30, s8;
	s11 =	sadd.s32 $0x28, s12  }
0x65: {  	[tilespmem:s19], [sflag:$0x4] =	stream.indirect.gather [hbm4b:s1+s28], $0x80, s26, s28, $0xb8;
	[tilespmem:$0x1DA00] =	vst v63  }
0x66: {  	s26 =	sshll.u32 s11, $0x4  }
0x67: {  	s20 =	simm.s32 $0x0;
	s11 =	sshrl.u32 s11, $0x3;
	s26 =	sadd.s32 s7, s26  }
0x68: {  	[tilespmem:s31], [sflag:$0x6] =	stream.linear.gather [hbm4b:s26+s20], $0x1400, $0x38;
	[tilespmem:$0x1DA00] =	vst v63  }
0x69: {  	s11 =	sadd.s32 s2, s11  }
0x6a: {  	[tilespmem:s16], [sflag:$0xC] =	stream.linear.gather [hbm4b:s11+s20], $0x28, $0x38;
	[tilespmem:$0x1DA00] =	vst v63  }
0x6b: {  	s11 =	sadd.s32 $0x4E20, s11  }
0x6c: {  	[tilespmem:s17], [sflag:$0xC] =	stream.linear.gather [hbm4b:s11+s20], $0x28, $0x38;
	[tilespmem:$0x1DA00] =	vst v63  }
0x6d: {  	s11 =	simm.s32 $0x0  }
0x6e: {  	v3 =	vld [tilespmem:s11+$0x1B000]  }
0x6f: {  	v4 =	vld [tilespmem:s11+$0x1B010]  }
0x70: {  	v5 =	vld [tilespmem:s11+$0x1B020]  }
0x71: {  	v7 =	vld [tilespmem:s11+$0x1B030]  }
0x72: {  	v8 =	vld [tilespmem:s11+$0x1B040]  }
0x73: {  	v2 =	vld [tilespmem:s11+$0x1B050]  }
0x74: {  	v6 =	vld [tilespmem:s11+$0x16000]  }
0x75: {  	v9 =	vld [tilespmem:s11+$0x18800]  }
0x76: {  	v1 =	vld [tilespmem:s11+$0x1B060]  }
0x77: {  	v10 =	vld [tilespmem:s11+$0x16010]  }
0x78: {  	v11 =	vld [tilespmem:s11+$0x18810];
	v12 =	vshll.u32 v3, $0x10  }
0x79: {  	v13 =	vld [tilespmem:s11+$0x16020];
	v3 =	vand.u32 $0xFFFF0000, v3;
	v6 =	vmul.f32 v12, v6  }
0x7a: {  	v0 =	vld [tilespmem:s11+$0x1B070];
	v3 =	vmul.f32 v3, v9  }
0x7b: {  	v63 =	vld [tilespmem:s11+$0x18820];
	[tilespmem:s11+$0x16000] =	vst v6;
	v6 =	vshll.u32 v4, $0x10  }
0x7c: {  	v14 =	vld [tilespmem:s11+$0x16030];
	[tilespmem:s11+$0x18800] =	vst v3;
	v3 =	vand.u32 $0xFFFF0000, v4;
	v6 =	vmul.f32 v6, v10  }
0x7d: {  	v9 =	vld [tilespmem:s11+$0x18830];
	v4 =	vshll.u32 v5, $0x10;
	v3 =	vmul.f32 v3, v11  }
0x7e: {  	v15 =	vld [tilespmem:s11+$0x16040];
	v10 =	vmul.f32 v4, v13;
	[tilespmem:s11+$0x16010] =	vst v6  }
0x7f: {  	v6 =	vld [tilespmem:s11+$0x18840];
	[tilespmem:s11+$0x18810] =	vst v3;
	v3 =	vand.u32 $0xFFFF0000, v5  }
0x80: {  	v4 =	vld [tilespmem:s11+$0x16050];
	[tilespmem:s11+$0x16020] =	vst v10;
	v10 =	vshll.u32 v7, $0x10;
	v3 =	vmul.f32 v3, v63  }
0x81: {  	v5 =	vld [tilespmem:s11+$0x18850];
	v7 =	vand.u32 $0xFFFF0000, v7;
	v10 =	vmul.f32 v10, v14  }
0x82: {  	v11 =	vshll.u32 v8, $0x10;
	v9 =	vmul.f32 v7, v9;
	[tilespmem:s11+$0x18820] =	vst v3;
	v3 =	vld [tilespmem:s11+$0x16060]  }
0x83: {  	s26 =	simm.s32 $0x200;
	v7 =	vld [tilespmem:s11+$0x18860];
	[tilespmem:s11+$0x16030] =	vst v10;
	v10 =	vand.u32 $0xFFFF0000, v8;
	v8 =	vmul.f32 v11, v15  }
.LBB2_3:
0x84: {  	p2 =	sne.s32 s26, $0x4E00;
	[tilespmem:s11+$0x18830] =	vst v9;
	v6 =	vmul.f32 v10, v6;
	v9 =	vshll.u32 v2, $0x10;
	v10 =	vld [tilespmem:s11+$0x16070]  }
0x85: {  	s20 =	sshra.s32 s26, $0x2;
	v2 =	vand.u32 $0xFFFF0000, v2;
	[tilespmem:s11+$0x16040] =	vst v8;
	v4 =	vmul.f32 v9, v4;
	v8 =	vld [tilespmem:s11+$0x18870]  }
0x86: {  	v9 =	vld [tilespmem:s20+$0x1B000];
	[tilespmem:s11+$0x18840] =	vst v6;
	v2 =	vmul.f32 v2, v5;
	v5 =	vshll.u32 v1, $0x10  }
0x87: {  	v1 =	vand.u32 $0xFFFF0000, v1;
	v6 =	vld [tilespmem:s20+$0x1B010];
	[tilespmem:s11+$0x16050] =	vst v4;
	v3 =	vmul.f32 v5, v3  }
0x88: {  	v4 =	vld [tilespmem:s20+$0x1B020];
	[tilespmem:s11+$0x18850] =	vst v2;
	v1 =	vmul.f32 v1, v7;
	v2 =	vshll.u32 v0, $0x10  }
0x89: {  	v0 =	vand.u32 $0xFFFF0000, v0;
	v5 =	vld [tilespmem:s20+$0x1B030];
	[tilespmem:s11+$0x16060] =	vst v3;
	v3 =	vmul.f32 v2, v10  }
0x8a: {  	v7 =	vld [tilespmem:s20+$0x1B040];
	[tilespmem:s11+$0x18860] =	vst v1;
	v0 =	vmul.f32 v0, v8  }
0x8b: {  	v2 =	vld [tilespmem:s20+$0x1B050];
	[tilespmem:s11+$0x16070] =	vst v3  }
0x8c: {  	v1 =	vld [tilespmem:s20+$0x1B060];
	[tilespmem:s11+$0x18870] =	vst v0;
	s11 =	smov.u32 s20  }
0x8d: {  	v0 =	vld [tilespmem:s11+$0x1B070]  }
0x8e: {  	v3 =	vld [tilespmem:s11+$0x16000]  }
0x8f: {  	v8 =	vld [tilespmem:s11+$0x18800]  }
0x90: {  	v10 =	vld [tilespmem:s11+$0x16010]  }
0x91: {  	v11 =	vld [tilespmem:s11+$0x18810]  }
0x92: {  	v12 =	vshll.u32 v9, $0x10;
	v13 =	vld [tilespmem:s11+$0x16020]  }
0x93: {  	v9 =	vand.u32 $0xFFFF0000, v9;
	v3 =	vmul.f32 v12, v3;
	v12 =	vld [tilespmem:s11+$0x18820]  }
0x94: {  	v8 =	vmul.f32 v9, v8;
	v9 =	vshll.u32 v6, $0x10;
	v14 =	vld [tilespmem:s11+$0x16030]  }
0x95: {  	[tilespmem:s11+$0x16000] =	vst v3;
	v3 =	vand.u32 $0xFFFF0000, v6;
	v6 =	vmul.f32 v9, v10;
	v9 =	vld [tilespmem:s11+$0x18830]  }
0x96: {  	[tilespmem:s11+$0x18800] =	vst v8;
	v3 =	vmul.f32 v3, v11;
	v8 =	vshll.u32 v4, $0x10;
	v11 =	vld [tilespmem:s11+$0x16040]  }
.Ltmp0:
0x97: {  	v4 =	vand.u32 $0xFFFF0000, v4;
	[tilespmem:s11+$0x16010] =	vst v6;
	v8 =	vmul.f32 v8, v13;
	v6 =	vld [tilespmem:s11+$0x18840];
	(pc) =	sbr.rel @p2 .LBB2_3-.Ltmp0, $4  }
0x98: {  	v10 =	vshll.u32 v5, $0x10;
	[tilespmem:s11+$0x18810] =	vst v3;
	v3 =	vmul.f32 v4, v12;
	v4 =	vld [tilespmem:s11+$0x16050]  }
0x99: {  	[tilespmem:s11+$0x16020] =	vst v8;
	v8 =	vand.u32 $0xFFFF0000, v5;
	v10 =	vmul.f32 v10, v14;
	v5 =	vld [tilespmem:s11+$0x18850]  }
0x9a: {  	[tilespmem:s11+$0x18820] =	vst v3;
	v9 =	vmul.f32 v8, v9;
	v8 =	vshll.u32 v7, $0x10;
	v3 =	vld [tilespmem:s11+$0x16060]  }
0x9b: {  	s26 =	sadd.s32 $0x200, s26;
	[tilespmem:s11+$0x16030] =	vst v10;
	v10 =	vand.u32 $0xFFFF0000, v7;
	v8 =	vmul.f32 v8, v11;
	v7 =	vld [tilespmem:s11+$0x18860]  }
0x9c: {  	[tilespmem:s11+$0x18830] =	vst v9;
	v9 =	vld [tilespmem:s11+$0x16070];
	v6 =	vmul.f32 v10, v6;
	v10 =	vshll.u32 v2, $0x10  }
0x9d: {  	v2 =	vand.u32 $0xFFFF0000, v2;
	[tilespmem:s11+$0x16040] =	vst v8;
	v4 =	vmul.f32 v10, v4;
	v8 =	vld [tilespmem:s11+$0x18870]  }
0x9e: {  	[tilespmem:s11+$0x18840] =	vst v6;
	v2 =	vmul.f32 v2, v5;
	v5 =	vshll.u32 v1, $0x10  }
0x9f: {  	v1 =	vand.u32 $0xFFFF0000, v1;
	[tilespmem:s11+$0x16050] =	vst v4;
	v3 =	vmul.f32 v5, v3  }
0xa0: {  	[tilespmem:s11+$0x18850] =	vst v2;
	v1 =	vmul.f32 v1, v7;
	v2 =	vshll.u32 v0, $0x10  }
0xa1: {  	v0 =	vand.u32 $0xFFFF0000, v0;
	[tilespmem:s11+$0x16060] =	vst v3;
	v2 =	vmul.f32 v2, v9  }
0xa2: {  	[tilespmem:s11+$0x18860] =	vst v1;
	v0 =	vmul.f32 v0, v8  }
0xa3: {  	[tilespmem:s11+$0x16070] =	vst v2  }
0xa4: {  	[tilespmem:s11+$0x18870] =	vst v0  }
0xa5: {  	[spmem:s3] =	stream.indirect.scatter.add.f32 [tilespmem:s29], [sflag:$0x7], $0x80, s0, s28, $0xb8;
	[tilespmem:$0x1DA00] =	vst v63  }
0xa6: {  	_ = 	snop  }
0xa7: {  	[spmem:s3] =	stream.indirect.scatter.add.f32 [tilespmem:s30], [sflag:$0x9], $0x80, s4, s28, $0xb8;
	[tilespmem:$0x1DA00] =	vst v63  }
0xa8: {  	_ =	swait.ge [sflag:s18], $0x1400  }
0xa9: {  	[sflag:s18] =	ssyncset.done $0x0  }
0xaa: {  	[sflag:s18] =	ssyncadd.s32 $0xFFFFEC00  }
0xab: {  	_ =	swait.ge [sflag:s21], $0x1400  }
0xac: {  	[sflag:s21] =	ssyncset.done $0x0  }
0xad: {  	[sflag:s21] =	ssyncadd.s32 $0xFFFFEC00  }
0xae: {  	_ =	swait.ge [sflag:s22], $0x1400  }
0xaf: {  	[sflag:s22] =	ssyncset.done $0x0  }
0xb0: {  	[sflag:s22] =	ssyncadd.s32 $0xFFFFEC00  }
0xb1: {  	_ =	swait.ge [sflag:s23], $0x28  }
0xb2: {  	[sflag:s23] =	ssyncset.done $0x0  }
0xb3: {  	[sflag:s23] =	ssyncadd.s32 $0xFFFFFFD8  }
0xb4: {  	_ =	swait.ge [sflag:s23], $0x28  }
0xb5: {  	[sflag:s23] =	ssyncset.done $0x0  }
0xb6: {  	[sflag:s23] =	ssyncadd.s32 $0xFFFFFFD8  }
0xb7: {  	_ =	swait.ge [sflag:s24], $0x1400  }
0xb8: {  	[sflag:s24] =	ssyncset.done $0x0  }
0xb9: {  	[sflag:s24] =	ssyncadd.s32 $0xFFFFEC00  }
0xba: {  	_ =	swait.ge [sflag:s25], $0x1400  }
0xbb: {  	[sflag:s25] =	ssyncset.done $0x0  }
0xbc: {  	s26 =	sadd.s32 $0x138D0, s8;
	s12 =	sadd.s32 $0x50, s12;
	[sflag:s25] =	ssyncadd.s32 $0xFFFFEC00  }
0xbd: {  	[tilespmem:s29], [sflag:$0x1] =	stream.indirect.gather [hbm4b:s1+s28], $0x80, s26, s28, $0xb8;
	[tilespmem:$0x1DA00] =	vst v63  }
0xbe: {  	s20 =	sshll.u32 s12, $0x4;
	s11 =	sadd.s32 $0x14C58, s8;
	s8 =	sshrl.u32 s12, $0x3  }
0xbf: {  	[tilespmem:s30], [sflag:$0x3] =	stream.indirect.gather [hbm4b:s1+s28], $0x80, s11, s28, $0xb8;
	[tilespmem:$0x1DA00] =	vst v63  }
0xc0: {  	s26 =	simm.s32 $0x0;
	s11 =	sadd.s32 s7, s20;
	s20 =	simm.s32 $0x1B000  }
0xc1: {  	[tilespmem:s20], [sflag:$0x5] =	stream.linear.gather [hbm4b:s11+s26], $0x1400, $0x38;
	[tilespmem:$0x1DA00] =	vst v63  }
0xc2: {  	s8 =	sadd.s32 s2, s8  }
0xc3: {  	[tilespmem:s0], [sflag:$0xB] =	stream.linear.gather [hbm4b:s8+s26], $0x28, $0x38;
	[tilespmem:$0x1DA00] =	vst v63  }
0xc4: {  	s8 =	sadd.s32 $0x4E20, s8  }
0xc5: {  	[tilespmem:s4], [sflag:$0xB] =	stream.linear.gather [hbm4b:s8+s26], $0x28, $0x38;
	[tilespmem:$0x1DA00] =	vst v63  }
0xc6: {  	s8 =	simm.s32 $0x0  }
0xc7: {  	v3 =	vld [tilespmem:s8+$0x1C400]  }
0xc8: {  	v4 =	vld [tilespmem:s8+$0x1C410]  }
0xc9: {  	v5 =	vld [tilespmem:s8+$0x1C420]  }
0xca: {  	v7 =	vld [tilespmem:s8+$0x1C430]  }
0xcb: {  	v8 =	vld [tilespmem:s8+$0x1C440]  }
0xcc: {  	v2 =	vld [tilespmem:s8+$0x1C450]  }
0xcd: {  	v6 =	vld [tilespmem:s8+$0x17400]  }
0xce: {  	v9 =	vld [tilespmem:s8+$0x19C00]  }
0xcf: {  	v1 =	vld [tilespmem:s8+$0x1C460]  }
0xd0: {  	v10 =	vld [tilespmem:s8+$0x17410]  }
0xd1: {  	v11 =	vld [tilespmem:s8+$0x19C10];
	v12 =	vshll.u32 v3, $0x10  }
0xd2: {  	v13 =	vld [tilespmem:s8+$0x17420];
	v3 =	vand.u32 $0xFFFF0000, v3;
	v6 =	vmul.f32 v12, v6  }
0xd3: {  	v0 =	vld [tilespmem:s8+$0x1C470];
	v3 =	vmul.f32 v3, v9  }
0xd4: {  	v63 =	vld [tilespmem:s8+$0x19C20];
	[tilespmem:s8+$0x17400] =	vst v6;
	v6 =	vshll.u32 v4, $0x10  }
0xd5: {  	v14 =	vld [tilespmem:s8+$0x17430];
	[tilespmem:s8+$0x19C00] =	vst v3;
	v3 =	vand.u32 $0xFFFF0000, v4;
	v6 =	vmul.f32 v6, v10  }
0xd6: {  	v9 =	vld [tilespmem:s8+$0x19C30];
	v4 =	vshll.u32 v5, $0x10;
	v3 =	vmul.f32 v3, v11  }
0xd7: {  	v15 =	vld [tilespmem:s8+$0x17440];
	v10 =	vmul.f32 v4, v13;
	[tilespmem:s8+$0x17410] =	vst v6  }
0xd8: {  	v6 =	vld [tilespmem:s8+$0x19C40];
	[tilespmem:s8+$0x19C10] =	vst v3;
	v3 =	vand.u32 $0xFFFF0000, v5  }
0xd9: {  	v4 =	vld [tilespmem:s8+$0x17450];
	[tilespmem:s8+$0x17420] =	vst v10;
	v10 =	vshll.u32 v7, $0x10;
	v3 =	vmul.f32 v3, v63  }
0xda: {  	v5 =	vld [tilespmem:s8+$0x19C50];
	v7 =	vand.u32 $0xFFFF0000, v7;
	v10 =	vmul.f32 v10, v14  }
0xdb: {  	v11 =	vshll.u32 v8, $0x10;
	v9 =	vmul.f32 v7, v9;
	[tilespmem:s8+$0x19C20] =	vst v3;
	v3 =	vld [tilespmem:s8+$0x17460]  }
0xdc: {  	s11 =	simm.s32 $0x200;
	v7 =	vld [tilespmem:s8+$0x19C60];
	[tilespmem:s8+$0x17430] =	vst v10;
	v10 =	vand.u32 $0xFFFF0000, v8;
	v8 =	vmul.f32 v11, v15  }
.LBB2_5:
0xdd: {  	p2 =	sne.s32 s11, $0x4E00;
	[tilespmem:s8+$0x19C30] =	vst v9;
	v6 =	vmul.f32 v10, v6;
	v9 =	vshll.u32 v2, $0x10;
	v10 =	vld [tilespmem:s8+$0x17470]  }
0xde: {  	s12 =	sshra.s32 s11, $0x2;
	v2 =	vand.u32 $0xFFFF0000, v2;
	[tilespmem:s8+$0x17440] =	vst v8;
	v4 =	vmul.f32 v9, v4;
	v8 =	vld [tilespmem:s8+$0x19C70]  }
0xdf: {  	v9 =	vld [tilespmem:s12+$0x1C400];
	[tilespmem:s8+$0x19C40] =	vst v6;
	v2 =	vmul.f32 v2, v5;
	v5 =	vshll.u32 v1, $0x10  }
0xe0: {  	v1 =	vand.u32 $0xFFFF0000, v1;
	v6 =	vld [tilespmem:s12+$0x1C410];
	[tilespmem:s8+$0x17450] =	vst v4;
	v3 =	vmul.f32 v5, v3  }
0xe1: {  	v4 =	vld [tilespmem:s12+$0x1C420];
	[tilespmem:s8+$0x19C50] =	vst v2;
	v1 =	vmul.f32 v1, v7;
	v2 =	vshll.u32 v0, $0x10  }
0xe2: {  	v0 =	vand.u32 $0xFFFF0000, v0;
	v5 =	vld [tilespmem:s12+$0x1C430];
	[tilespmem:s8+$0x17460] =	vst v3;
	v3 =	vmul.f32 v2, v10  }
0xe3: {  	v7 =	vld [tilespmem:s12+$0x1C440];
	[tilespmem:s8+$0x19C60] =	vst v1;
	v0 =	vmul.f32 v0, v8  }
0xe4: {  	v2 =	vld [tilespmem:s12+$0x1C450];
	[tilespmem:s8+$0x17470] =	vst v3  }
0xe5: {  	v1 =	vld [tilespmem:s12+$0x1C460];
	[tilespmem:s8+$0x19C70] =	vst v0;
	s8 =	smov.u32 s12  }
0xe6: {  	v0 =	vld [tilespmem:s8+$0x1C470]  }
0xe7: {  	v3 =	vld [tilespmem:s8+$0x17400]  }
0xe8: {  	v8 =	vld [tilespmem:s8+$0x19C00]  }
0xe9: {  	v10 =	vld [tilespmem:s8+$0x17410]  }
0xea: {  	v11 =	vld [tilespmem:s8+$0x19C10]  }
0xeb: {  	v12 =	vshll.u32 v9, $0x10;
	v13 =	vld [tilespmem:s8+$0x17420]  }
0xec: {  	v9 =	vand.u32 $0xFFFF0000, v9;
	v3 =	vmul.f32 v12, v3;
	v12 =	vld [tilespmem:s8+$0x19C20]  }
0xed: {  	v8 =	vmul.f32 v9, v8;
	v9 =	vshll.u32 v6, $0x10;
	v14 =	vld [tilespmem:s8+$0x17430]  }
0xee: {  	[tilespmem:s8+$0x17400] =	vst v3;
	v3 =	vand.u32 $0xFFFF0000, v6;
	v6 =	vmul.f32 v9, v10;
	v9 =	vld [tilespmem:s8+$0x19C30]  }
0xef: {  	[tilespmem:s8+$0x19C00] =	vst v8;
	v3 =	vmul.f32 v3, v11;
	v8 =	vshll.u32 v4, $0x10;
	v11 =	vld [tilespmem:s8+$0x17440]  }
.Ltmp1:
0xf0: {  	v4 =	vand.u32 $0xFFFF0000, v4;
	[tilespmem:s8+$0x17410] =	vst v6;
	v8 =	vmul.f32 v8, v13;
	v6 =	vld [tilespmem:s8+$0x19C40];
	(pc) =	sbr.rel @p2 .LBB2_5-.Ltmp1, $4  }
0xf1: {  	v10 =	vshll.u32 v5, $0x10;
	[tilespmem:s8+$0x19C10] =	vst v3;
	v3 =	vmul.f32 v4, v12;
	v4 =	vld [tilespmem:s8+$0x17450]  }
0xf2: {  	[tilespmem:s8+$0x17420] =	vst v8;
	v8 =	vand.u32 $0xFFFF0000, v5;
	v10 =	vmul.f32 v10, v14;
	v5 =	vld [tilespmem:s8+$0x19C50]  }
0xf3: {  	[tilespmem:s8+$0x19C20] =	vst v3;
	v9 =	vmul.f32 v8, v9;
	v8 =	vshll.u32 v7, $0x10;
	v3 =	vld [tilespmem:s8+$0x17460]  }
0xf4: {  	s11 =	sadd.s32 $0x200, s11;
	[tilespmem:s8+$0x17430] =	vst v10;
	v10 =	vand.u32 $0xFFFF0000, v7;
	v8 =	vmul.f32 v8, v11;
	v7 =	vld [tilespmem:s8+$0x19C60]  }
0xf5: {  	[tilespmem:s8+$0x19C30] =	vst v9;
	v56 =	vld [tilespmem:s8+$0x17470];
	v6 =	vmul.f32 v10, v6;
	v57 =	vshll.u32 v2, $0x10  }
0xf6: {  	v58 =	vand.u32 $0xFFFF0000, v2;
	v59 =	vld [tilespmem:s8+$0x19C70];
	[tilespmem:s8+$0x17440] =	vst v8;
	v4 =	vmul.f32 v57, v4  }
0xf7: {  	v60 =	vshll.u32 v1, $0x10;
	[tilespmem:s8+$0x19C40] =	vst v6;
	v2 =	vmul.f32 v58, v5  }
0xf8: {  	v61 =	vand.u32 $0xFFFF0000, v1;
	[tilespmem:s8+$0x17450] =	vst v4;
	v3 =	vmul.f32 v60, v3  }
0xf9: {  	v62 =	vshll.u32 v0, $0x10;
	[tilespmem:s8+$0x19C50] =	vst v2;
	v1 =	vmul.f32 v61, v7  }
0xfa: {  	v63 =	vand.u32 $0xFFFF0000, v0;
	s5 =	sadd.s32 $0x1, s5;
	[tilespmem:s8+$0x17460] =	vst v3;
	v2 =	vmul.f32 v62, v56  }
0xfb: {  	p2 =	sne.s32 s5, $0x3E;
	v0 =	vmul.f32 v63, v59;
	[tilespmem:s8+$0x19C60] =	vst v1  }
.Ltmp2:
0xfc: {  	[tilespmem:s8+$0x17470] =	vst v2;
	(pc) =	sbr.rel @p2 .LBB2_2-.Ltmp2, $4  }
0xfd: {  	[tilespmem:s8+$0x19C70] =	vst v0  }
0xfe: {  	[spmem:s3] =	stream.indirect.scatter.add.f32 [tilespmem:s15], [sflag:$0x8], $0x80, s16, s28, $0xb8;
	[tilespmem:$0x1DA00] =	vst v63  }
0xff: {  	_ = 	snop  }
0x100: {  	[spmem:s3] =	stream.indirect.scatter.add.f32 [tilespmem:s19], [sflag:$0xA], $0x80, s17, s28, $0xb8;
	[tilespmem:$0x1DA00] =	vst v63  }
0x101: {  	_ =	swait.ge [sflag:s9], $0x1400  }
0x102: {  	[sflag:s9] =	ssyncset.done $0x0  }
0x103: {  	[sflag:s9] =	ssyncadd.s32 $0xFFFFEC00  }
0x104: {  	_ =	swait.ge [sflag:s10], $0x1400  }
0x105: {  	[sflag:s10] =	ssyncset.done $0x0  }
0x106: {  	[sflag:s10] =	ssyncadd.s32 $0xFFFFEC00  }
0x107: {  	_ =	swait.ge [sflag:s13], $0x1400  }
0x108: {  	[sflag:s13] =	ssyncset.done $0x0  }
0x109: {  	[sflag:s13] =	ssyncadd.s32 $0xFFFFEC00  }
0x10a: {  	_ =	swait.ge [sflag:s14], $0x28  }
0x10b: {  	[sflag:s14] =	ssyncset.done $0x0  }
0x10c: {  	[sflag:s14] =	ssyncadd.s32 $0xFFFFFFD8  }
0x10d: {  	_ =	swait.ge [sflag:s14], $0x28  }
0x10e: {  	[sflag:s14] =	ssyncset.done $0x0  }
0x10f: {  	s5 =	simm.s32 $0x0;
	[sflag:s14] =	ssyncadd.s32 $0xFFFFFFD8  }
0x110: {  	v3 =	vld [tilespmem:s5+$0x1B000]  }
0x111: {  	v4 =	vld [tilespmem:s5+$0x1B010]  }
0x112: {  	v5 =	vld [tilespmem:s5+$0x1B020]  }
0x113: {  	v7 =	vld [tilespmem:s5+$0x1B030]  }
0x114: {  	v8 =	vld [tilespmem:s5+$0x1B040]  }
0x115: {  	v2 =	vld [tilespmem:s5+$0x1B050]  }
0x116: {  	v6 =	vld [tilespmem:s5+$0x16000]  }
0x117: {  	v9 =	vld [tilespmem:s5+$0x18800]  }
0x118: {  	v1 =	vld [tilespmem:s5+$0x1B060]  }
0x119: {  	v10 =	vld [tilespmem:s5+$0x16010]  }
0x11a: {  	v11 =	vld [tilespmem:s5+$0x18810];
	v12 =	vshll.u32 v3, $0x10  }
0x11b: {  	v13 =	vld [tilespmem:s5+$0x16020];
	v3 =	vand.u32 $0xFFFF0000, v3;
	v6 =	vmul.f32 v12, v6  }
0x11c: {  	v0 =	vld [tilespmem:s5+$0x1B070];
	v3 =	vmul.f32 v3, v9  }
0x11d: {  	v63 =	vld [tilespmem:s5+$0x18820];
	[tilespmem:s5+$0x16000] =	vst v6;
	v6 =	vshll.u32 v4, $0x10  }
0x11e: {  	v14 =	vld [tilespmem:s5+$0x16030];
	[tilespmem:s5+$0x18800] =	vst v3;
	v3 =	vand.u32 $0xFFFF0000, v4;
	v6 =	vmul.f32 v6, v10  }
0x11f: {  	v9 =	vld [tilespmem:s5+$0x18830];
	v4 =	vshll.u32 v5, $0x10;
	v3 =	vmul.f32 v3, v11  }
0x120: {  	v15 =	vld [tilespmem:s5+$0x16040];
	v10 =	vmul.f32 v4, v13;
	[tilespmem:s5+$0x16010] =	vst v6  }
0x121: {  	v6 =	vld [tilespmem:s5+$0x18840];
	[tilespmem:s5+$0x18810] =	vst v3;
	v3 =	vand.u32 $0xFFFF0000, v5  }
0x122: {  	v4 =	vld [tilespmem:s5+$0x16050];
	[tilespmem:s5+$0x16020] =	vst v10;
	v10 =	vshll.u32 v7, $0x10;
	v3 =	vmul.f32 v3, v63  }
0x123: {  	v5 =	vld [tilespmem:s5+$0x18850];
	v7 =	vand.u32 $0xFFFF0000, v7;
	v10 =	vmul.f32 v10, v14  }
0x124: {  	v11 =	vshll.u32 v8, $0x10;
	v9 =	vmul.f32 v7, v9;
	[tilespmem:s5+$0x18820] =	vst v3;
	v3 =	vld [tilespmem:s5+$0x16060]  }
0x125: {  	s8 =	simm.s32 $0x200;
	v7 =	vld [tilespmem:s5+$0x18860];
	[tilespmem:s5+$0x16030] =	vst v10;
	v10 =	vand.u32 $0xFFFF0000, v8;
	v8 =	vmul.f32 v11, v15  }
.LBB2_8:
0x126: {  	p2 =	sne.s32 s8, $0x4E00;
	[tilespmem:s5+$0x18830] =	vst v9;
	v6 =	vmul.f32 v10, v6;
	v9 =	vshll.u32 v2, $0x10;
	v10 =	vld [tilespmem:s5+$0x16070]  }
0x127: {  	s11 =	sshra.s32 s8, $0x2;
	v2 =	vand.u32 $0xFFFF0000, v2;
	[tilespmem:s5+$0x16040] =	vst v8;
	v4 =	vmul.f32 v9, v4;
	v8 =	vld [tilespmem:s5+$0x18870]  }
0x128: {  	v9 =	vld [tilespmem:s11+$0x1B000];
	[tilespmem:s5+$0x18840] =	vst v6;
	v2 =	vmul.f32 v2, v5;
	v5 =	vshll.u32 v1, $0x10  }
0x129: {  	v1 =	vand.u32 $0xFFFF0000, v1;
	v6 =	vld [tilespmem:s11+$0x1B010];
	[tilespmem:s5+$0x16050] =	vst v4;
	v3 =	vmul.f32 v5, v3  }
0x12a: {  	v4 =	vld [tilespmem:s11+$0x1B020];
	[tilespmem:s5+$0x18850] =	vst v2;
	v1 =	vmul.f32 v1, v7;
	v2 =	vshll.u32 v0, $0x10  }
0x12b: {  	v0 =	vand.u32 $0xFFFF0000, v0;
	v5 =	vld [tilespmem:s11+$0x1B030];
	[tilespmem:s5+$0x16060] =	vst v3;
	v3 =	vmul.f32 v2, v10  }
0x12c: {  	v7 =	vld [tilespmem:s11+$0x1B040];
	[tilespmem:s5+$0x18860] =	vst v1;
	v0 =	vmul.f32 v0, v8  }
0x12d: {  	v2 =	vld [tilespmem:s11+$0x1B050];
	[tilespmem:s5+$0x16070] =	vst v3  }
0x12e: {  	v1 =	vld [tilespmem:s11+$0x1B060];
	[tilespmem:s5+$0x18870] =	vst v0;
	s5 =	smov.u32 s11  }
0x12f: {  	v0 =	vld [tilespmem:s5+$0x1B070]  }
0x130: {  	v3 =	vld [tilespmem:s5+$0x16000]  }
0x131: {  	v8 =	vld [tilespmem:s5+$0x18800]  }
0x132: {  	v10 =	vld [tilespmem:s5+$0x16010]  }
0x133: {  	v11 =	vld [tilespmem:s5+$0x18810]  }
0x134: {  	v12 =	vshll.u32 v9, $0x10;
	v13 =	vld [tilespmem:s5+$0x16020]  }
0x135: {  	v9 =	vand.u32 $0xFFFF0000, v9;
	v3 =	vmul.f32 v12, v3;
	v12 =	vld [tilespmem:s5+$0x18820]  }
0x136: {  	v8 =	vmul.f32 v9, v8;
	v9 =	vshll.u32 v6, $0x10;
	v14 =	vld [tilespmem:s5+$0x16030]  }
0x137: {  	[tilespmem:s5+$0x16000] =	vst v3;
	v3 =	vand.u32 $0xFFFF0000, v6;
	v6 =	vmul.f32 v9, v10;
	v9 =	vld [tilespmem:s5+$0x18830]  }
0x138: {  	[tilespmem:s5+$0x18800] =	vst v8;
	v3 =	vmul.f32 v3, v11;
	v8 =	vshll.u32 v4, $0x10;
	v11 =	vld [tilespmem:s5+$0x16040]  }
.Ltmp3:
0x139: {  	v4 =	vand.u32 $0xFFFF0000, v4;
	[tilespmem:s5+$0x16010] =	vst v6;
	v8 =	vmul.f32 v8, v13;
	v6 =	vld [tilespmem:s5+$0x18840];
	(pc) =	sbr.rel @p2 .LBB2_8-.Ltmp3, $4  }
0x13a: {  	v10 =	vshll.u32 v5, $0x10;
	[tilespmem:s5+$0x18810] =	vst v3;
	v3 =	vmul.f32 v4, v12;
	v4 =	vld [tilespmem:s5+$0x16050]  }
0x13b: {  	[tilespmem:s5+$0x16020] =	vst v8;
	v8 =	vand.u32 $0xFFFF0000, v5;
	v10 =	vmul.f32 v10, v14;
	v5 =	vld [tilespmem:s5+$0x18850]  }
0x13c: {  	[tilespmem:s5+$0x18820] =	vst v3;
	v9 =	vmul.f32 v8, v9;
	v8 =	vshll.u32 v7, $0x10;
	v3 =	vld [tilespmem:s5+$0x16060]  }
0x13d: {  	s8 =	sadd.s32 $0x200, s8;
	[tilespmem:s5+$0x16030] =	vst v10;
	v10 =	vand.u32 $0xFFFF0000, v7;
	v8 =	vmul.f32 v8, v11;
	v7 =	vld [tilespmem:s5+$0x18860]  }
0x13e: {  	[tilespmem:s5+$0x18830] =	vst v9;
	v56 =	vld [tilespmem:s5+$0x16070];
	v6 =	vmul.f32 v10, v6;
	v57 =	vshll.u32 v2, $0x10  }
0x13f: {  	v58 =	vand.u32 $0xFFFF0000, v2;
	v59 =	vld [tilespmem:s5+$0x18870];
	[tilespmem:s5+$0x16040] =	vst v8;
	v4 =	vmul.f32 v57, v4  }
0x140: {  	v60 =	vshll.u32 v1, $0x10;
	[tilespmem:s5+$0x18840] =	vst v6;
	v2 =	vmul.f32 v58, v5  }
0x141: {  	v61 =	vand.u32 $0xFFFF0000, v1;
	[tilespmem:s5+$0x16050] =	vst v4;
	v3 =	vmul.f32 v60, v3  }
0x142: {  	v62 =	vshll.u32 v0, $0x10;
	[tilespmem:s5+$0x18850] =	vst v2;
	v1 =	vmul.f32 v61, v7  }
0x143: {  	v63 =	vand.u32 $0xFFFF0000, v0;
	[tilespmem:s5+$0x16060] =	vst v3;
	v2 =	vmul.f32 v62, v56  }
0x144: {  	v0 =	vmul.f32 v63, v59;
	[tilespmem:s5+$0x18860] =	vst v1  }
0x145: {  	[tilespmem:s5+$0x16070] =	vst v2  }
0x146: {  	[tilespmem:s5+$0x18870] =	vst v0  }
0x147: {  	[spmem:s3] =	stream.indirect.scatter.add.f32 [tilespmem:s29], [sflag:$0x7], $0x80, s0, s28, $0xb8;
	[tilespmem:$0x1DA00] =	vst v63  }
0x148: {  	_ = 	snop  }
0x149: {  	[spmem:s3] =	stream.indirect.scatter.add.f32 [tilespmem:s30], [sflag:$0x9], $0x80, s4, s28, $0xb8;
	[tilespmem:$0x1DA00] =	vst v63  }
0x14a: {  	_ =	swait.ge [sflag:s24], $0x1400  }
0x14b: {  	[sflag:s24] =	ssyncset.done $0x0  }
0x14c: {  	[sflag:s24] =	ssyncadd.s32 $0xFFFFEC00  }
0x14d: {  	_ =	swait.ge [sflag:s25], $0x1400  }
0x14e: {  	[sflag:s25] =	ssyncset.done $0x0  }
0x14f: {  	s8 =	simm.s32 $0x8;
	[sflag:s25] =	ssyncadd.s32 $0xFFFFEC00  }
0x150: {  	_ =	swait.ge [sflag:s8], $0x1400  }
0x151: {  	[sflag:s8] =	ssyncset.done $0x0  }
0x152: {  	s11 =	simm.s32 $0xA;
	[sflag:s8] =	ssyncadd.s32 $0xFFFFEC00  }
0x153: {  	_ =	swait.ge [sflag:s11], $0x1400  }
0x154: {  	[sflag:s11] =	ssyncset.done $0x0  }
0x155: {  	[sflag:s11] =	ssyncadd.s32 $0xFFFFEC00  }
0x156: {  	[bflag:$0x0] =	sbarrier.arrive $0xFFFF  }
0x157: {  	s20 =	rddreg [dreg:$0xa]  }
0x158: {  	s12 =	rddreg [dreg:$0xe]  }
0x159: {  	s5 =	simm.s32 @p1 $0xD;
	s8 =	rddreg [dreg:$0x14]  }
0x15a: {  	[hbm:s12], [sflag:s20] =	dma.local [spmem:s8], $0x2700  }
0x15b: {  	_ =	swait.ge @p1 [sflag:s5], $0x2700  }
0x15c: {  	[sflag:s5] =	ssyncset.done @p1 $0x0;
	s8 =	rddreg [dreg:$0x15]  }
0x15d: {  	[sflag:s5] =	ssyncadd.s32 @p1 $0xFFFFD900;
	s5 =	rddreg [dreg:$0xf]  }
0x15e: {  	[hbm:s5], [sflag:s20] =	dma.local @!p1 [spmem:s8], $0x100  }
0x15f: {  	s5 =	simm.s32 @!p1 $0xD  }
0x160: {  	_ =	swait.ge @!p1 [sflag:s5], $0x2700  }
0x161: {  	[sflag:s5] =	ssyncset.done @!p1 $0x0  }
0x162: {  	[sflag:s5] =	ssyncadd.s32 @!p1 $0xFFFFD900  }
0x163: {  	_ =	swait.ge @!p1 [sflag:s5], $0x100  }
0x164: {  	s11 =	rddreg [dreg:$0x16]  }
0x165: {  	s26 =	rddreg [dreg:$0x10];
	s11 =	sadd.s32 $0x1, s11  }
0x166: {  	p2 =	sne.s32 s11, s26  }
.Ltmp4:
0x167: {  	_ = 	snop;
	(pc) =	sbr.rel @p2 .LBB2_1-.Ltmp4, $3  }
0x168: {  	_ =	sdelay $0x1  }
0x169: {  	[sflag:s5] =	ssyncset.done @!p1 $0x0  }
0x16a: {  	[sflag:s5] =	ssyncadd.s32 @!p1 $0xFFFFFF00  }
0x16b: {  	_ =	sfence.sel $0x180000  }
0x16c: {  	[bflag:$0x0] =	sbarrier.arrive $0xFFFF  }
0x16d: {  	_ =	strace $0x90000047  }
0x16e: {  	s0 =	stileid.u32;
	[bflag:$0x2] =	sbarrier.arrive $0xFFFF  }
0x16f: {  	p0 =	sne.s32 s0, $0x0;
	s0 =	rddreg [dreg:$0x5]  }
0x170: {  	s0 =	sadd.s32 @!p0 $0x100000, s0  }
0x171: {  	[sflag:s0] =	ssyncadd.tile.s32 @!p0 $0x1;
	_ =	shalt  }
.Lfunc_end2:
_tile_overlayer_lowered:
.L_overlay_start_2:
0x172: {  	(tag) =	ssettag $0x2  }
0x173: {  	s0 =	rddreg [dreg:$0x0];
	s2 =	stileid.u32  }
0x174: {  	s1 =	rddreg [dreg:$0x1];
	p0 =	sne.s32 s2, $0x0  }
0x175: {  	s3 =	rddreg [dreg:$0x2];
	[bflag:$0x3] =	sbarrier.arrive $0xFFFF;
	s2 =	simm.s32 @!p0 $0x1C0E  }
0x176: {  	[timem:s3], [sflag:s2] =	dma.local @!p0 [hbm:s0], s1  }
0x177: {  	s0 =	simm.s32 @!p0 $0xE  }
0x178: {  	_ =	swait.ge @!p0 [sflag:s0], s1  }
0x179: {  	s1 =	ssub.s32 @!p0 $0x0, s1;
	[sflag:s0] =	ssyncset.done @!p0 $0x0  }
0x17a: {  	[sflag:s0] =	ssyncadd.s32 @!p0 s1  }
0x17b: {  	[bflag:$0x3] =	sbarrier.arrive $0xFFFF  }
0x17c: {  	_ =	shalt  }

</sc_bundles>
